<compile_context>
chip_gen: v7x
topology: tpu7x:2x2x1
jax: 0.10.2.dev20260603
libtpu: 0.0.44.dev20260713+nightly
codegen_flags: <defaults>
</compile_context>

<pallas_src>
import functools

import jax
import jax.numpy as jnp
from jax import lax
from jax.experimental import pallas as pl
from jax.experimental.pallas import tpu as pltpu
from jax.experimental.pallas import tpu_sc as plsc

NC = 2
NS = 16
NW = NC * NS

R = 16


def _make_gather(vocab, dim, n):
    assert n % NW == 0
    b_per_w = n // NW
    assert b_per_w % R == 0
    n_groups = b_per_w // R
    assert n_groups >= 2

    mesh = plsc.VectorSubcoreMesh(core_axis_name="c", subcore_axis_name="s")

    @functools.partial(
        pl.kernel,
        out_type=jax.ShapeDtypeStruct((n, dim), jnp.float32),
        mesh=mesh,
        scratch_types=[
            pltpu.VMEM((b_per_w,), jnp.int32),
            pltpu.VMEM_SHARED((NS, 2, R, dim), jnp.float32),
            [pltpu.SemaphoreType.DMA for _ in range(2)],
            [pltpu.SemaphoreType.DMA for _ in range(2)],
        ],
    )
    def gather(table_hbm, idx_hbm, out_hbm, idx_v, shared, gsems, ssems):
        cid = lax.axis_index("c")
        sid = lax.axis_index("s")
        wid = sid * NC + cid
        base = wid * b_per_w
        pltpu.sync_copy(idx_hbm.at[pl.ds(base, b_per_w)], idx_v)

        def issue_group(g, slot):
            vec = idx_v[pl.ds(g * R, R)]
            for j in range(R):
                row = vec[j]
                pltpu.async_copy(
                    table_hbm.at[pl.ds(row, 1)],
                    shared.at[sid, slot, pl.ds(j, 1)],
                    gsems[slot],
                )

        def wait_group(slot):
            pltpu.make_async_copy(
                table_hbm.at[pl.ds(0, R)], shared.at[sid, slot], gsems[slot]
            ).wait()

        issue_group(0, 0)

        def body(g, _):
            nxt = g + 1
            for slot in range(2):
                @pl.when(lax.rem(g, 2) == slot)
                def _():
                    other = 1 - slot
                    @pl.when(nxt < n_groups)
                    def _():
                        @pl.when(nxt >= 2)
                        def _():
                            pltpu.make_async_copy(
                                shared.at[sid, other],
                                out_hbm.at[pl.ds(base, R)],
                                ssems[other],
                            ).wait()
                        issue_group(nxt, other)
                    wait_group(slot)
                    pltpu.async_copy(
                        shared.at[sid, slot],
                        out_hbm.at[pl.ds(base + g * R, R)],
                        ssems[slot],
                    )
            return 0

        lax.fori_loop(0, n_groups, body, 0)

        for slot in range(2):
            pltpu.make_async_copy(
                shared.at[sid, slot], out_hbm.at[pl.ds(base, R)], ssems[slot]
            ).wait()

    return gather


def kernel(input_ids, weight):
    b, s = input_ids.shape
    vocab, dim = weight.shape
    idx = input_ids.reshape(-1).astype(jnp.int32)
    out = _make_gather(vocab, dim, idx.shape[0])(weight, idx)
    return out.reshape(b, s, dim)

# --- scband reference (transcript-rebuilt; emitter-appended) ---
"""Pipeline reference for scband-embedding-wrapper-11141145166023 (READ-ONLY COPY).

The authoritative reference and input builder live on the scoring server;
editing this copy changes nothing except your own understanding.
"""

import jax, jax.numpy as jnp
import numpy as np

VOCAB = 152064
DIM = 3584
BATCH = 4
SEQ = 8192

def setup_inputs(seed: int = 0) -> dict:
    key = jax.random.key(seed)
    k_idx, k_tab = jax.random.split(key)
    input_ids = jax.random.randint(k_idx, (BATCH, SEQ), 0, VOCAB, dtype=jnp.int64 if jax.config.jax_enable_x64 else jnp.int32)
    weight = jax.random.normal(k_tab, (VOCAB, DIM), dtype=jnp.float32) * 0.02
    return {"input_ids": input_ids, "weight": weight}

def reference(input_ids, weight):
    # Faithful to nn.Embedding.forward: row gather from the embedding table
    return jnp.take(weight, input_ids, axis=0)

if __name__ == "__main__":
    import jax
    _d = setup_inputs()
    print(jax.jit(kernel)(*tuple(_d.values())))

</pallas_src>

<mosaic_0001>
#map = affine_map<(d0, d1) -> (0, 0)>
#map1 = affine_map<(d0, d1) -> (0)>
module attributes {stable_mosaic.version = 14 : i64} {
  func.func @gather(%arg0: i32, %arg1: i32, %arg2: memref<152064x3584xf32, #tpu.memory_space<hbm>>, %arg3: memref<32768xi32, #tpu.memory_space<hbm>>, %arg4: memref<32768x3584xf32, #tpu.memory_space<hbm>>, %arg5: memref<1024xi32, #tpu.memory_space<vmem>>, %arg6: memref<16x2x16x3584xf32, #tpu.memory_space<vmem_shared>>, %arg7: memref<!tpu.dma_semaphore, #tpu.memory_space<semaphore_mem>>, %arg8: memref<!tpu.dma_semaphore, #tpu.memory_space<semaphore_mem>>, %arg9: memref<!tpu.dma_semaphore, #tpu.memory_space<semaphore_mem>>, %arg10: memref<!tpu.dma_semaphore, #tpu.memory_space<semaphore_mem>>) attributes {dimension_semantics = [#tpu.dimension_semantics<core_parallel>, #tpu.dimension_semantics<subcore_parallel>], iteration_bounds = array<i64: 2, 16>, scalar_prefetch = 0 : i64, scratch_operands = 6 : i64, tpu.core_type = #tpu.core_type<sc_vector_subcore>, window_params = [{transform_indices = #map}, {transform_indices = #map1}, {transform_indices = #map}]} {
    %mul3A = arith.constant 2 : i32
    %mul3A_0 = arith.muli %arg1, %mul3A : i32
    %add3A = arith.addi %mul3A_0, %arg0 : i32
    %mul3A_1 = arith.constant 1024 : i32
    %mul3A_2 = arith.muli %add3A, %mul3A_1 : i32
    "tpu.region"() ({
      %run_scoped3A = tpu.sem_alloc : memref<!tpu.dma_semaphore, #tpu.memory_space<semaphore_mem>>
      %dma_start3A_165 = tpu.memref_slice %arg3[%mul3A_2] : memref<32768xi32, #tpu.memory_space<hbm>> -> memref<1024xi32, #tpu.memory_space<hbm>>
      %dma_start3A_166 = tpu.memref_slice %arg3[%mul3A_2] : memref<32768xi32, #tpu.memory_space<hbm>> -> memref<1024xi32, #tpu.memory_space<hbm>>
      tpu.enqueue_dma source(%dma_start3A_166 : memref<1024xi32, #tpu.memory_space<hbm>>) target(%arg5 : memref<1024xi32, #tpu.memory_space<vmem>>) target_semaphore(%run_scoped3A : memref<!tpu.dma_semaphore, #tpu.memory_space<semaphore_mem>>)
      %dma_wait3A_167 = tpu.memref_slice %arg3[%mul3A_2] : memref<32768xi32, #tpu.memory_space<hbm>> -> memref<1024xi32, #tpu.memory_space<hbm>>
      %dma_wait3A_168 = tpu.memref_slice %arg3[%mul3A_2] : memref<32768xi32, #tpu.memory_space<hbm>> -> memref<1024xi32, #tpu.memory_space<hbm>>
      tpu.wait_dma2 semaphore(%run_scoped3A : memref<!tpu.dma_semaphore, #tpu.memory_space<semaphore_mem>>) src(%dma_wait3A_168 : memref<1024xi32, #tpu.memory_space<hbm>>) dst(%arg5 : memref<1024xi32, #tpu.memory_space<vmem>>)
      tpu.yield
    }) : () -> ()
    %get3A = arith.constant 0 : index
    %get3A_3 = tpu.vector_load %arg5[%get3A] {strides = array<i32>} : memref<1024xi32, #tpu.memory_space<vmem>>, vector<16xi32>,
    %get3A_4 = vector.shape_cast %get3A_3 : vector<16xi32> to vector<16xi32>
    %slice3A = vector.extract_strided_slice %get3A_4 {offsets = [0], sizes = [1], strides = [1]} : vector<16xi32> to vector<1xi32>
    %squeeze3A = vector.extract %slice3A[0] : i32 from vector<1xi32>
    %dma_start3A = arith.constant 0 : i32
    %dma_start3A_5 = arith.constant 0 : i32
    %dma_start3A_6 = arith.constant 0 : i32
    %dma_start3A_7 = tpu.memref_slice %arg6[%arg1, %dma_start3A, %dma_start3A_5, %dma_start3A_6] : memref<16x2x16x3584xf32, #tpu.memory_space<vmem_shared>> -> memref<1x1x1x3584xf32, #tpu.memory_space<vmem_shared>>
    %dma_start3A_8 = tpu.memref_squeeze %dma_start3A_7 : memref<1x1x1x3584xf32, #tpu.memory_space<vmem_shared>> -> memref<1x3584xf32, #tpu.memory_space<vmem_shared>>
    %dma_start3A_9 = arith.constant 0 : i32
    %dma_start3A_10 = tpu.memref_slice %arg2[%squeeze3A, %dma_start3A_9] : memref<152064x3584xf32, #tpu.memory_space<hbm>> -> memref<1x3584xf32, #tpu.memory_space<hbm>>
    tpu.enqueue_dma source(%dma_start3A_10 : memref<1x3584xf32, #tpu.memory_space<hbm>>) target(%dma_start3A_8 : memref<1x3584xf32, #tpu.memory_space<vmem_shared>>) target_semaphore(%arg7 : memref<!tpu.dma_semaphore, #tpu.memory_space<semaphore_mem>>)
    %slice3A_11 = vector.extract_strided_slice %get3A_4 {offsets = [1], sizes = [1], strides = [1]} : vector<16xi32> to vector<1xi32>
    %squeeze3A_12 = vector.extract %slice3A_11[0] : i32 from vector<1xi32>
    %dma_start3A_13 = arith.constant 0 : i32
    %dma_start3A_14 = arith.constant 1 : i32
    %dma_start3A_15 = arith.constant 0 : i32
    %dma_start3A_16 = tpu.memref_slice %arg6[%arg1, %dma_start3A_13, %dma_start3A_14, %dma_start3A_15] : memref<16x2x16x3584xf32, #tpu.memory_space<vmem_shared>> -> memref<1x1x1x3584xf32, #tpu.memory_space<vmem_shared>>
    %dma_start3A_17 = tpu.memref_squeeze %dma_start3A_16 : memref<1x1x1x3584xf32, #tpu.memory_space<vmem_shared>> -> memref<1x3584xf32, #tpu.memory_space<vmem_shared>>
    %dma_start3A_18 = arith.constant 0 : i32
    %dma_start3A_19 = tpu.memref_slice %arg2[%squeeze3A_12, %dma_start3A_18] : memref<152064x3584xf32, #tpu.memory_space<hbm>> -> memref<1x3584xf32, #tpu.memory_space<hbm>>
    tpu.enqueue_dma source(%dma_start3A_19 : memref<1x3584xf32, #tpu.memory_space<hbm>>) target(%dma_start3A_17 : memref<1x3584xf32, #tpu.memory_space<vmem_shared>>) target_semaphore(%arg7 : memref<!tpu.dma_semaphore, #tpu.memory_space<semaphore_mem>>)
    %slice3A_20 = vector.extract_strided_slice %get3A_4 {offsets = [2], sizes = [1], strides = [1]} : vector<16xi32> to vector<1xi32>
    %squeeze3A_21 = vector.extract %slice3A_20[0] : i32 from vector<1xi32>
    %dma_start3A_22 = arith.constant 0 : i32
    %dma_start3A_23 = arith.constant 2 : i32
    %dma_start3A_24 = arith.constant 0 : i32
    %dma_start3A_25 = tpu.memref_slice %arg6[%arg1, %dma_start3A_22, %dma_start3A_23, %dma_start3A_24] : memref<16x2x16x3584xf32, #tpu.memory_space<vmem_shared>> -> memref<1x1x1x3584xf32, #tpu.memory_space<vmem_shared>>
    %dma_start3A_26 = tpu.memref_squeeze %dma_start3A_25 : memref<1x1x1x3584xf32, #tpu.memory_space<vmem_shared>> -> memref<1x3584xf32, #tpu.memory_space<vmem_shared>>
    %dma_start3A_27 = arith.constant 0 : i32
    %dma_start3A_28 = tpu.memref_slice %arg2[%squeeze3A_21, %dma_start3A_27] : memref<152064x3584xf32, #tpu.memory_space<hbm>> -> memref<1x3584xf32, #tpu.memory_space<hbm>>
    tpu.enqueue_dma source(%dma_start3A_28 : memref<1x3584xf32, #tpu.memory_space<hbm>>) target(%dma_start3A_26 : memref<1x3584xf32, #tpu.memory_space<vmem_shared>>) target_semaphore(%arg7 : memref<!tpu.dma_semaphore, #tpu.memory_space<semaphore_mem>>)
    %slice3A_29 = vector.extract_strided_slice %get3A_4 {offsets = [3], sizes = [1], strides = [1]} : vector<16xi32> to vector<1xi32>
    %squeeze3A_30 = vector.extract %slice3A_29[0] : i32 from vector<1xi32>
    %dma_start3A_31 = arith.constant 0 : i32
    %dma_start3A_32 = arith.constant 3 : i32
    %dma_start3A_33 = arith.constant 0 : i32
    %dma_start3A_34 = tpu.memref_slice %arg6[%arg1, %dma_start3A_31, %dma_start3A_32, %dma_start3A_33] : memref<16x2x16x3584xf32, #tpu.memory_space<vmem_shared>> -> memref<1x1x1x3584xf32, #tpu.memory_space<vmem_shared>>
    %dma_start3A_35 = tpu.memref_squeeze %dma_start3A_34 : memref<1x1x1x3584xf32, #tpu.memory_space<vmem_shared>> -> memref<1x3584xf32, #tpu.memory_space<vmem_shared>>
    %dma_start3A_36 = arith.constant 0 : i32
    %dma_start3A_37 = tpu.memref_slice %arg2[%squeeze3A_30, %dma_start3A_36] : memref<152064x3584xf32, #tpu.memory_space<hbm>> -> memref<1x3584xf32, #tpu.memory_space<hbm>>
    tpu.enqueue_dma source(%dma_start3A_37 : memref<1x3584xf32, #tpu.memory_space<hbm>>) target(%dma_start3A_35 : memref<1x3584xf32, #tpu.memory_space<vmem_shared>>) target_semaphore(%arg7 : memref<!tpu.dma_semaphore, #tpu.memory_space<semaphore_mem>>)
    %slice3A_38 = vector.extract_strided_slice %get3A_4 {offsets = [4], sizes = [1], strides = [1]} : vector<16xi32> to vector<1xi32>
    %squeeze3A_39 = vector.extract %slice3A_38[0] : i32 from vector<1xi32>
    %dma_start3A_40 = arith.constant 0 : i32
    %dma_start3A_41 = arith.constant 4 : i32
    %dma_start3A_42 = arith.constant 0 : i32
    %dma_start3A_43 = tpu.memref_slice %arg6[%arg1, %dma_start3A_40, %dma_start3A_41, %dma_start3A_42] : memref<16x2x16x3584xf32, #tpu.memory_space<vmem_shared>> -> memref<1x1x1x3584xf32, #tpu.memory_space<vmem_shared>>
    %dma_start3A_44 = tpu.memref_squeeze %dma_start3A_43 : memref<1x1x1x3584xf32, #tpu.memory_space<vmem_shared>> -> memref<1x3584xf32, #tpu.memory_space<vmem_shared>>
    %dma_start3A_45 = arith.constant 0 : i32
    %dma_start3A_46 = tpu.memref_slice %arg2[%squeeze3A_39, %dma_start3A_45] : memref<152064x3584xf32, #tpu.memory_space<hbm>> -> memref<1x3584xf32, #tpu.memory_space<hbm>>
    tpu.enqueue_dma source(%dma_start3A_46 : memref<1x3584xf32, #tpu.memory_space<hbm>>) target(%dma_start3A_44 : memref<1x3584xf32, #tpu.memory_space<vmem_shared>>) target_semaphore(%arg7 : memref<!tpu.dma_semaphore, #tpu.memory_space<semaphore_mem>>)
    %slice3A_47 = vector.extract_strided_slice %get3A_4 {offsets = [5], sizes = [1], strides = [1]} : vector<16xi32> to vector<1xi32>
    %squeeze3A_48 = vector.extract %slice3A_47[0] : i32 from vector<1xi32>
    %dma_start3A_49 = arith.constant 0 : i32
    %dma_start3A_50 = arith.constant 5 : i32
    %dma_start3A_51 = arith.constant 0 : i32
    %dma_start3A_52 = tpu.memref_slice %arg6[%arg1, %dma_start3A_49, %dma_start3A_50, %dma_start3A_51] : memref<16x2x16x3584xf32, #tpu.memory_space<vmem_shared>> -> memref<1x1x1x3584xf32, #tpu.memory_space<vmem_shared>>
    %dma_start3A_53 = tpu.memref_squeeze %dma_start3A_52 : memref<1x1x1x3584xf32, #tpu.memory_space<vmem_shared>> -> memref<1x3584xf32, #tpu.memory_space<vmem_shared>>
    %dma_start3A_54 = arith.constant 0 : i32
    %dma_start3A_55 = tpu.memref_slice %arg2[%squeeze3A_48, %dma_start3A_54] : memref<152064x3584xf32, #tpu.memory_space<hbm>> -> memref<1x3584xf32, #tpu.memory_space<hbm>>
    tpu.enqueue_dma source(%dma_start3A_55 : memref<1x3584xf32, #tpu.memory_space<hbm>>) target(%dma_start3A_53 : memref<1x3584xf32, #tpu.memory_space<vmem_shared>>) target_semaphore(%arg7 : memref<!tpu.dma_semaphore, #tpu.memory_space<semaphore_mem>>)
    %slice3A_56 = vector.extract_strided_slice %get3A_4 {offsets = [6], sizes = [1], strides = [1]} : vector<16xi32> to vector<1xi32>
    %squeeze3A_57 = vector.extract %slice3A_56[0] : i32 from vector<1xi32>
    %dma_start3A_58 = arith.constant 0 : i32
    %dma_start3A_59 = arith.constant 6 : i32
    %dma_start3A_60 = arith.constant 0 : i32
    %dma_start3A_61 = tpu.memref_slice %arg6[%arg1, %dma_start3A_58, %dma_start3A_59, %dma_start3A_60] : memref<16x2x16x3584xf32, #tpu.memory_space<vmem_shared>> -> memref<1x1x1x3584xf32, #tpu.memory_space<vmem_shared>>
    %dma_start3A_62 = tpu.memref_squeeze %dma_start3A_61 : memref<1x1x1x3584xf32, #tpu.memory_space<vmem_shared>> -> memref<1x3584xf32, #tpu.memory_space<vmem_shared>>
    %dma_start3A_63 = arith.constant 0 : i32
    %dma_start3A_64 = tpu.memref_slice %arg2[%squeeze3A_57, %dma_start3A_63] : memref<152064x3584xf32, #tpu.memory_space<hbm>> -> memref<1x3584xf32, #tpu.memory_space<hbm>>
    tpu.enqueue_dma source(%dma_start3A_64 : memref<1x3584xf32, #tpu.memory_space<hbm>>) target(%dma_start3A_62 : memref<1x3584xf32, #tpu.memory_space<vmem_shared>>) target_semaphore(%arg7 : memref<!tpu.dma_semaphore, #tpu.memory_space<semaphore_mem>>)
    %slice3A_65 = vector.extract_strided_slice %get3A_4 {offsets = [7], sizes = [1], strides = [1]} : vector<16xi32> to vector<1xi32>
    %squeeze3A_66 = vector.extract %slice3A_65[0] : i32 from vector<1xi32>
    %dma_start3A_67 = arith.constant 0 : i32
    %dma_start3A_68 = arith.constant 7 : i32
    %dma_start3A_69 = arith.constant 0 : i32
    %dma_start3A_70 = tpu.memref_slice %arg6[%arg1, %dma_start3A_67, %dma_start3A_68, %dma_start3A_69] : memref<16x2x16x3584xf32, #tpu.memory_space<vmem_shared>> -> memref<1x1x1x3584xf32, #tpu.memory_space<vmem_shared>>
    %dma_start3A_71 = tpu.memref_squeeze %dma_start3A_70 : memref<1x1x1x3584xf32, #tpu.memory_space<vmem_shared>> -> memref<1x3584xf32, #tpu.memory_space<vmem_shared>>
    %dma_start3A_72 = arith.constant 0 : i32
    %dma_start3A_73 = tpu.memref_slice %arg2[%squeeze3A_66, %dma_start3A_72] : memref<152064x3584xf32, #tpu.memory_space<hbm>> -> memref<1x3584xf32, #tpu.memory_space<hbm>>
    tpu.enqueue_dma source(%dma_start3A_73 : memref<1x3584xf32, #tpu.memory_space<hbm>>) target(%dma_start3A_71 : memref<1x3584xf32, #tpu.memory_space<vmem_shared>>) target_semaphore(%arg7 : memref<!tpu.dma_semaphore, #tpu.memory_space<semaphore_mem>>)
    %slice3A_74 = vector.extract_strided_slice %get3A_4 {offsets = [8], sizes = [1], strides = [1]} : vector<16xi32> to vector<1xi32>
    %squeeze3A_75 = vector.extract %slice3A_74[0] : i32 from vector<1xi32>
    %dma_start3A_76 = arith.constant 0 : i32
    %dma_start3A_77 = arith.constant 8 : i32
    %dma_start3A_78 = arith.constant 0 : i32
    %dma_start3A_79 = tpu.memref_slice %arg6[%arg1, %dma_start3A_76, %dma_start3A_77, %dma_start3A_78] : memref<16x2x16x3584xf32, #tpu.memory_space<vmem_shared>> -> memref<1x1x1x3584xf32, #tpu.memory_space<vmem_shared>>
    %dma_start3A_80 = tpu.memref_squeeze %dma_start3A_79 : memref<1x1x1x3584xf32, #tpu.memory_space<vmem_shared>> -> memref<1x3584xf32, #tpu.memory_space<vmem_shared>>
    %dma_start3A_81 = arith.constant 0 : i32
    %dma_start3A_82 = tpu.memref_slice %arg2[%squeeze3A_75, %dma_start3A_81] : memref<152064x3584xf32, #tpu.memory_space<hbm>> -> memref<1x3584xf32, #tpu.memory_space<hbm>>
    tpu.enqueue_dma source(%dma_start3A_82 : memref<1x3584xf32, #tpu.memory_space<hbm>>) target(%dma_start3A_80 : memref<1x3584xf32, #tpu.memory_space<vmem_shared>>) target_semaphore(%arg7 : memref<!tpu.dma_semaphore, #tpu.memory_space<semaphore_mem>>)
    %slice3A_83 = vector.extract_strided_slice %get3A_4 {offsets = [9], sizes = [1], strides = [1]} : vector<16xi32> to vector<1xi32>
    %squeeze3A_84 = vector.extract %slice3A_83[0] : i32 from vector<1xi32>
    %dma_start3A_85 = arith.constant 0 : i32
    %dma_start3A_86 = arith.constant 9 : i32
    %dma_start3A_87 = arith.constant 0 : i32
    %dma_start3A_88 = tpu.memref_slice %arg6[%arg1, %dma_start3A_85, %dma_start3A_86, %dma_start3A_87] : memref<16x2x16x3584xf32, #tpu.memory_space<vmem_shared>> -> memref<1x1x1x3584xf32, #tpu.memory_space<vmem_shared>>
    %dma_start3A_89 = tpu.memref_squeeze %dma_start3A_88 : memref<1x1x1x3584xf32, #tpu.memory_space<vmem_shared>> -> memref<1x3584xf32, #tpu.memory_space<vmem_shared>>
    %dma_start3A_90 = arith.constant 0 : i32
    %dma_start3A_91 = tpu.memref_slice %arg2[%squeeze3A_84, %dma_start3A_90] : memref<152064x3584xf32, #tpu.memory_space<hbm>> -> memref<1x3584xf32, #tpu.memory_space<hbm>>
    tpu.enqueue_dma source(%dma_start3A_91 : memref<1x3584xf32, #tpu.memory_space<hbm>>) target(%dma_start3A_89 : memref<1x3584xf32, #tpu.memory_space<vmem_shared>>) target_semaphore(%arg7 : memref<!tpu.dma_semaphore, #tpu.memory_space<semaphore_mem>>)
    %slice3A_92 = vector.extract_strided_slice %get3A_4 {offsets = [10], sizes = [1], strides = [1]} : vector<16xi32> to vector<1xi32>
    %squeeze3A_93 = vector.extract %slice3A_92[0] : i32 from vector<1xi32>
    %dma_start3A_94 = arith.constant 0 : i32
    %dma_start3A_95 = arith.constant 10 : i32
    %dma_start3A_96 = arith.constant 0 : i32
    %dma_start3A_97 = tpu.memref_slice %arg6[%arg1, %dma_start3A_94, %dma_start3A_95, %dma_start3A_96] : memref<16x2x16x3584xf32, #tpu.memory_space<vmem_shared>> -> memref<1x1x1x3584xf32, #tpu.memory_space<vmem_shared>>
    %dma_start3A_98 = tpu.memref_squeeze %dma_start3A_97 : memref<1x1x1x3584xf32, #tpu.memory_space<vmem_shared>> -> memref<1x3584xf32, #tpu.memory_space<vmem_shared>>
    %dma_start3A_99 = arith.constant 0 : i32
    %dma_start3A_100 = tpu.memref_slice %arg2[%squeeze3A_93, %dma_start3A_99] : memref<152064x3584xf32, #tpu.memory_space<hbm>> -> memref<1x3584xf32, #tpu.memory_space<hbm>>
    tpu.enqueue_dma source(%dma_start3A_100 : memref<1x3584xf32, #tpu.memory_space<hbm>>) target(%dma_start3A_98 : memref<1x3584xf32, #tpu.memory_space<vmem_shared>>) target_semaphore(%arg7 : memref<!tpu.dma_semaphore, #tpu.memory_space<semaphore_mem>>)
    %slice3A_101 = vector.extract_strided_slice %get3A_4 {offsets = [11], sizes = [1], strides = [1]} : vector<16xi32> to vector<1xi32>
    %squeeze3A_102 = vector.extract %slice3A_101[0] : i32 from vector<1xi32>
    %dma_start3A_103 = arith.constant 0 : i32
    %dma_start3A_104 = arith.constant 11 : i32
    %dma_start3A_105 = arith.constant 0 : i32
    %dma_start3A_106 = tpu.memref_slice %arg6[%arg1, %dma_start3A_103, %dma_start3A_104, %dma_start3A_105] : memref<16x2x16x3584xf32, #tpu.memory_space<vmem_shared>> -> memref<1x1x1x3584xf32, #tpu.memory_space<vmem_shared>>
    %dma_start3A_107 = tpu.memref_squeeze %dma_start3A_106 : memref<1x1x1x3584xf32, #tpu.memory_space<vmem_shared>> -> memref<1x3584xf32, #tpu.memory_space<vmem_shared>>
    %dma_start3A_108 = arith.constant 0 : i32
    %dma_start3A_109 = tpu.memref_slice %arg2[%squeeze3A_102, %dma_start3A_108] : memref<152064x3584xf32, #tpu.memory_space<hbm>> -> memref<1x3584xf32, #tpu.memory_space<hbm>>
    tpu.enqueue_dma source(%dma_start3A_109 : memref<1x3584xf32, #tpu.memory_space<hbm>>) target(%dma_start3A_107 : memref<1x3584xf32, #tpu.memory_space<vmem_shared>>) target_semaphore(%arg7 : memref<!tpu.dma_semaphore, #tpu.memory_space<semaphore_mem>>)
    %slice3A_110 = vector.extract_strided_slice %get3A_4 {offsets = [12], sizes = [1], strides = [1]} : vector<16xi32> to vector<1xi32>
    %squeeze3A_111 = vector.extract %slice3A_110[0] : i32 from vector<1xi32>
    %dma_start3A_112 = arith.constant 0 : i32
    %dma_start3A_113 = arith.constant 12 : i32
    %dma_start3A_114 = arith.constant 0 : i32
    %dma_start3A_115 = tpu.memref_slice %arg6[%arg1, %dma_start3A_112, %dma_start3A_113, %dma_start3A_114] : memref<16x2x16x3584xf32, #tpu.memory_space<vmem_shared>> -> memref<1x1x1x3584xf32, #tpu.memory_space<vmem_shared>>
    %dma_start3A_116 = tpu.memref_squeeze %dma_start3A_115 : memref<1x1x1x3584xf32, #tpu.memory_space<vmem_shared>> -> memref<1x3584xf32, #tpu.memory_space<vmem_shared>>
    %dma_start3A_117 = arith.constant 0 : i32
    %dma_start3A_118 = tpu.memref_slice %arg2[%squeeze3A_111, %dma_start3A_117] : memref<152064x3584xf32, #tpu.memory_space<hbm>> -> memref<1x3584xf32, #tpu.memory_space<hbm>>
    tpu.enqueue_dma source(%dma_start3A_118 : memref<1x3584xf32, #tpu.memory_space<hbm>>) target(%dma_start3A_116 : memref<1x3584xf32, #tpu.memory_space<vmem_shared>>) target_semaphore(%arg7 : memref<!tpu.dma_semaphore, #tpu.memory_space<semaphore_mem>>)
    %slice3A_119 = vector.extract_strided_slice %get3A_4 {offsets = [13], sizes = [1], strides = [1]} : vector<16xi32> to vector<1xi32>
    %squeeze3A_120 = vector.extract %slice3A_119[0] : i32 from vector<1xi32>
    %dma_start3A_121 = arith.constant 0 : i32
    %dma_start3A_122 = arith.constant 13 : i32
    %dma_start3A_123 = arith.constant 0 : i32
    %dma_start3A_124 = tpu.memref_slice %arg6[%arg1, %dma_start3A_121, %dma_start3A_122, %dma_start3A_123] : memref<16x2x16x3584xf32, #tpu.memory_space<vmem_shared>> -> memref<1x1x1x3584xf32, #tpu.memory_space<vmem_shared>>
    %dma_start3A_125 = tpu.memref_squeeze %dma_start3A_124 : memref<1x1x1x3584xf32, #tpu.memory_space<vmem_shared>> -> memref<1x3584xf32, #tpu.memory_space<vmem_shared>>
    %dma_start3A_126 = arith.constant 0 : i32
    %dma_start3A_127 = tpu.memref_slice %arg2[%squeeze3A_120, %dma_start3A_126] : memref<152064x3584xf32, #tpu.memory_space<hbm>> -> memref<1x3584xf32, #tpu.memory_space<hbm>>
    tpu.enqueue_dma source(%dma_start3A_127 : memref<1x3584xf32, #tpu.memory_space<hbm>>) target(%dma_start3A_125 : memref<1x3584xf32, #tpu.memory_space<vmem_shared>>) target_semaphore(%arg7 : memref<!tpu.dma_semaphore, #tpu.memory_space<semaphore_mem>>)
    %slice3A_128 = vector.extract_strided_slice %get3A_4 {offsets = [14], sizes = [1], strides = [1]} : vector<16xi32> to vector<1xi32>
    %squeeze3A_129 = vector.extract %slice3A_128[0] : i32 from vector<1xi32>
    %dma_start3A_130 = arith.constant 0 : i32
    %dma_start3A_131 = arith.constant 14 : i32
    %dma_start3A_132 = arith.constant 0 : i32
    %dma_start3A_133 = tpu.memref_slice %arg6[%arg1, %dma_start3A_130, %dma_start3A_131, %dma_start3A_132] : memref<16x2x16x3584xf32, #tpu.memory_space<vmem_shared>> -> memref<1x1x1x3584xf32, #tpu.memory_space<vmem_shared>>
    %dma_start3A_134 = tpu.memref_squeeze %dma_start3A_133 : memref<1x1x1x3584xf32, #tpu.memory_space<vmem_shared>> -> memref<1x3584xf32, #tpu.memory_space<vmem_shared>>
    %dma_start3A_135 = arith.constant 0 : i32
    %dma_start3A_136 = tpu.memref_slice %arg2[%squeeze3A_129, %dma_start3A_135] : memref<152064x3584xf32, #tpu.memory_space<hbm>> -> memref<1x3584xf32, #tpu.memory_space<hbm>>
    tpu.enqueue_dma source(%dma_start3A_136 : memref<1x3584xf32, #tpu.memory_space<hbm>>) target(%dma_start3A_134 : memref<1x3584xf32, #tpu.memory_space<vmem_shared>>) target_semaphore(%arg7 : memref<!tpu.dma_semaphore, #tpu.memory_space<semaphore_mem>>)
    %slice3A_137 = vector.extract_strided_slice %get3A_4 {offsets = [15], sizes = [1], strides = [1]} : vector<16xi32> to vector<1xi32>
    %squeeze3A_138 = vector.extract %slice3A_137[0] : i32 from vector<1xi32>
    %dma_start3A_139 = arith.constant 0 : i32
    %dma_start3A_140 = arith.constant 15 : i32
    %dma_start3A_141 = arith.constant 0 : i32
    %dma_start3A_142 = tpu.memref_slice %arg6[%arg1, %dma_start3A_139, %dma_start3A_140, %dma_start3A_141] : memref<16x2x16x3584xf32, #tpu.memory_space<vmem_shared>> -> memref<1x1x1x3584xf32, #tpu.memory_space<vmem_shared>>
    %dma_start3A_143 = tpu.memref_squeeze %dma_start3A_142 : memref<1x1x1x3584xf32, #tpu.memory_space<vmem_shared>> -> memref<1x3584xf32, #tpu.memory_space<vmem_shared>>
    %dma_start3A_144 = arith.constant 0 : i32
    %dma_start3A_145 = tpu.memref_slice %arg2[%squeeze3A_138, %dma_start3A_144] : memref<152064x3584xf32, #tpu.memory_space<hbm>> -> memref<1x3584xf32, #tpu.memory_space<hbm>>
    tpu.enqueue_dma source(%dma_start3A_145 : memref<1x3584xf32, #tpu.memory_space<hbm>>) target(%dma_start3A_143 : memref<1x3584xf32, #tpu.memory_space<vmem_shared>>) target_semaphore(%arg7 : memref<!tpu.dma_semaphore, #tpu.memory_space<semaphore_mem>>)
    %scan3A = arith.constant 0 : i32
    %scan3A_146 = arith.constant 0 : i32
    %scan3A_147 = arith.constant 64 : i32
    %scan3A_148 = arith.addi %scan3A_146, %scan3A_147 : i32
    %scan3A_149 = arith.constant 1 : i32
    %scan3A_150 = scf.for %scan3A_165 = %scan3A_146 to %scan3A_148 step %scan3A_149 iter_args(%scan3A_166 = %scan3A) -> (i32)  : i32 {
      %add3A_167 = arith.constant 1 : i32
      %add3A_168 = arith.addi %scan3A_165, %add3A_167 : i32
      %rem3A = arith.constant 2 : i32
      %rem3A_169 = arith.remsi %scan3A_165, %rem3A : i32
      %eq3A = arith.constant 0 : i32
      %eq3A_170 = arith.cmpi eq, %rem3A_169, %eq3A : i32
      %convert_element_type3A = arith.extui %eq3A_170 : i1 to i32
      %cond3A = arith.constant 0 : i32
      %cond3A_171 = arith.cmpi ne, %convert_element_type3A, %cond3A : i32
      scf.if %cond3A_171 {
        %lt3A = arith.constant 64 : i32
        %lt3A_180 = arith.cmpi slt, %add3A_168, %lt3A : i32
        %convert_element_type3A_181 = arith.extui %lt3A_180 : i1 to i32
        %cond3A_182 = arith.constant 0 : i32
        %cond3A_183 = arith.cmpi ne, %convert_element_type3A_181, %cond3A_182 : i32
        scf.if %cond3A_183 {
          %ge3A = arith.constant 2 : i32
          %ge3A_202 = arith.cmpi sge, %add3A_168, %ge3A : i32
          %convert_element_type3A_203 = arith.extui %ge3A_202 : i1 to i32
          %cond3A_204 = arith.constant 0 : i32
          %cond3A_205 = arith.cmpi ne, %convert_element_type3A_203, %cond3A_204 : i32
          scf.if %cond3A_205 {
            %dma_wait3A_355 = arith.constant 1 : i32
            %dma_wait3A_356 = arith.constant 0 : i32
            %dma_wait3A_357 = tpu.memref_slice %arg4[%mul3A_2, %dma_wait3A_356] : memref<32768x3584xf32, #tpu.memory_space<hbm>> -> memref<16x3584xf32, #tpu.memory_space<hbm>>
            %dma_wait3A_358 = arith.constant 0 : i32
            %dma_wait3A_359 = arith.constant 0 : i32
            %dma_wait3A_360 = tpu.memref_slice %arg6[%arg1, %dma_wait3A_355, %dma_wait3A_358, %dma_wait3A_359] : memref<16x2x16x3584xf32, #tpu.memory_space<vmem_shared>> -> memref<1x1x16x3584xf32, #tpu.memory_space<vmem_shared>>
            %dma_wait3A_361 = tpu.memref_squeeze %dma_wait3A_360 : memref<1x1x16x3584xf32, #tpu.memory_space<vmem_shared>> -> memref<16x3584xf32, #tpu.memory_space<vmem_shared>>
            tpu.wait_dma2 semaphore(%arg10 : memref<!tpu.dma_semaphore, #tpu.memory_space<semaphore_mem>>) src(%dma_wait3A_361 : memref<16x3584xf32, #tpu.memory_space<vmem_shared>>) dst(%dma_wait3A_357 : memref<16x3584xf32, #tpu.memory_space<hbm>>)
          } else {
          }
          %mul3A_206 = arith.constant 16 : i32
          %mul3A_207 = arith.muli %add3A_168, %mul3A_206 : i32
          %get3A_208 = arith.index_cast %mul3A_207 : i32 to index
          %get3A_209 = tpu.vector_load %arg5[%get3A_208] {strides = array<i32>} : memref<1024xi32, #tpu.memory_space<vmem>>, vector<16xi32>,
          %get3A_210 = vector.shape_cast %get3A_209 : vector<16xi32> to vector<16xi32>
          %slice3A_211 = vector.extract_strided_slice %get3A_210 {offsets = [0], sizes = [1], strides = [1]} : vector<16xi32> to vector<1xi32>
          %squeeze3A_212 = vector.extract %slice3A_211[0] : i32 from vector<1xi32>
          %dma_start3A_213 = arith.constant 1 : i32
          %dma_start3A_214 = arith.constant 0 : i32
          %dma_start3A_215 = arith.constant 0 : i32
          %dma_start3A_216 = tpu.memref_slice %arg6[%arg1, %dma_start3A_213, %dma_start3A_214, %dma_start3A_215] : memref<16x2x16x3584xf32, #tpu.memory_space<vmem_shared>> -> memref<1x1x1x3584xf32, #tpu.memory_space<vmem_shared>>
          %dma_start3A_217 = tpu.memref_squeeze %dma_start3A_216 : memref<1x1x1x3584xf32, #tpu.memory_space<vmem_shared>> -> memref<1x3584xf32, #tpu.memory_space<vmem_shared>>
          %dma_start3A_218 = arith.constant 0 : i32
          %dma_start3A_219 = tpu.memref_slice %arg2[%squeeze3A_212, %dma_start3A_218] : memref<152064x3584xf32, #tpu.memory_space<hbm>> -> memref<1x3584xf32, #tpu.memory_space<hbm>>
          tpu.enqueue_dma source(%dma_start3A_219 : memref<1x3584xf32, #tpu.memory_space<hbm>>) target(%dma_start3A_217 : memref<1x3584xf32, #tpu.memory_space<vmem_shared>>) target_semaphore(%arg8 : memref<!tpu.dma_semaphore, #tpu.memory_space<semaphore_mem>>)
          %slice3A_220 = vector.extract_strided_slice %get3A_210 {offsets = [1], sizes = [1], strides = [1]} : vector<16xi32> to vector<1xi32>
          %squeeze3A_221 = vector.extract %slice3A_220[0] : i32 from vector<1xi32>
          %dma_start3A_222 = arith.constant 1 : i32
          %dma_start3A_223 = arith.constant 1 : i32
          %dma_start3A_224 = arith.constant 0 : i32
          %dma_start3A_225 = tpu.memref_slice %arg6[%arg1, %dma_start3A_222, %dma_start3A_223, %dma_start3A_224] : memref<16x2x16x3584xf32, #tpu.memory_space<vmem_shared>> -> memref<1x1x1x3584xf32, #tpu.memory_space<vmem_shared>>
          %dma_start3A_226 = tpu.memref_squeeze %dma_start3A_225 : memref<1x1x1x3584xf32, #tpu.memory_space<vmem_shared>> -> memref<1x3584xf32, #tpu.memory_space<vmem_shared>>
          %dma_start3A_227 = arith.constant 0 : i32
          %dma_start3A_228 = tpu.memref_slice %arg2[%squeeze3A_221, %dma_start3A_227] : memref<152064x3584xf32, #tpu.memory_space<hbm>> -> memref<1x3584xf32, #tpu.memory_space<hbm>>
          tpu.enqueue_dma source(%dma_start3A_228 : memref<1x3584xf32, #tpu.memory_space<hbm>>) target(%dma_start3A_226 : memref<1x3584xf32, #tpu.memory_space<vmem_shared>>) target_semaphore(%arg8 : memref<!tpu.dma_semaphore, #tpu.memory_space<semaphore_mem>>)
          %slice3A_229 = vector.extract_strided_slice %get3A_210 {offsets = [2], sizes = [1], strides = [1]} : vector<16xi32> to vector<1xi32>
          %squeeze3A_230 = vector.extract %slice3A_229[0] : i32 from vector<1xi32>
          %dma_start3A_231 = arith.constant 1 : i32
          %dma_start3A_232 = arith.constant 2 : i32
          %dma_start3A_233 = arith.constant 0 : i32
          %dma_start3A_234 = tpu.memref_slice %arg6[%arg1, %dma_start3A_231, %dma_start3A_232, %dma_start3A_233] : memref<16x2x16x3584xf32, #tpu.memory_space<vmem_shared>> -> memref<1x1x1x3584xf32, #tpu.memory_space<vmem_shared>>
          %dma_start3A_235 = tpu.memref_squeeze %dma_start3A_234 : memref<1x1x1x3584xf32, #tpu.memory_space<vmem_shared>> -> memref<1x3584xf32, #tpu.memory_space<vmem_shared>>
          %dma_start3A_236 = arith.constant 0 : i32
          %dma_start3A_237 = tpu.memref_slice %arg2[%squeeze3A_230, %dma_start3A_236] : memref<152064x3584xf32, #tpu.memory_space<hbm>> -> memref<1x3584xf32, #tpu.memory_space<hbm>>
          tpu.enqueue_dma source(%dma_start3A_237 : memref<1x3584xf32, #tpu.memory_space<hbm>>) target(%dma_start3A_235 : memref<1x3584xf32, #tpu.memory_space<vmem_shared>>) target_semaphore(%arg8 : memref<!tpu.dma_semaphore, #tpu.memory_space<semaphore_mem>>)
          %slice3A_238 = vector.extract_strided_slice %get3A_210 {offsets = [3], sizes = [1], strides = [1]} : vector<16xi32> to vector<1xi32>
          %squeeze3A_239 = vector.extract %slice3A_238[0] : i32 from vector<1xi32>
          %dma_start3A_240 = arith.constant 1 : i32
          %dma_start3A_241 = arith.constant 3 : i32
          %dma_start3A_242 = arith.constant 0 : i32
          %dma_start3A_243 = tpu.memref_slice %arg6[%arg1, %dma_start3A_240, %dma_start3A_241, %dma_start3A_242] : memref<16x2x16x3584xf32, #tpu.memory_space<vmem_shared>> -> memref<1x1x1x3584xf32, #tpu.memory_space<vmem_shared>>
          %dma_start3A_244 = tpu.memref_squeeze %dma_start3A_243 : memref<1x1x1x3584xf32, #tpu.memory_space<vmem_shared>> -> memref<1x3584xf32, #tpu.memory_space<vmem_shared>>
          %dma_start3A_245 = arith.constant 0 : i32
          %dma_start3A_246 = tpu.memref_slice %arg2[%squeeze3A_239, %dma_start3A_245] : memref<152064x3584xf32, #tpu.memory_space<hbm>> -> memref<1x3584xf32, #tpu.memory_space<hbm>>
          tpu.enqueue_dma source(%dma_start3A_246 : memref<1x3584xf32, #tpu.memory_space<hbm>>) target(%dma_start3A_244 : memref<1x3584xf32, #tpu.memory_space<vmem_shared>>) target_semaphore(%arg8 : memref<!tpu.dma_semaphore, #tpu.memory_space<semaphore_mem>>)
          %slice3A_247 = vector.extract_strided_slice %get3A_210 {offsets = [4], sizes = [1], strides = [1]} : vector<16xi32> to vector<1xi32>
          %squeeze3A_248 = vector.extract %slice3A_247[0] : i32 from vector<1xi32>
          %dma_start3A_249 = arith.constant 1 : i32
          %dma_start3A_250 = arith.constant 4 : i32
          %dma_start3A_251 = arith.constant 0 : i32
          %dma_start3A_252 = tpu.memref_slice %arg6[%arg1, %dma_start3A_249, %dma_start3A_250, %dma_start3A_251] : memref<16x2x16x3584xf32, #tpu.memory_space<vmem_shared>> -> memref<1x1x1x3584xf32, #tpu.memory_space<vmem_shared>>
          %dma_start3A_253 = tpu.memref_squeeze %dma_start3A_252 : memref<1x1x1x3584xf32, #tpu.memory_space<vmem_shared>> -> memref<1x3584xf32, #tpu.memory_space<vmem_shared>>
          %dma_start3A_254 = arith.constant 0 : i32
          %dma_start3A_255 = tpu.memref_slice %arg2[%squeeze3A_248, %dma_start3A_254] : memref<152064x3584xf32, #tpu.memory_space<hbm>> -> memref<1x3584xf32, #tpu.memory_space<hbm>>
          tpu.enqueue_dma source(%dma_start3A_255 : memref<1x3584xf32, #tpu.memory_space<hbm>>) target(%dma_start3A_253 : memref<1x3584xf32, #tpu.memory_space<vmem_shared>>) target_semaphore(%arg8 : memref<!tpu.dma_semaphore, #tpu.memory_space<semaphore_mem>>)
          %slice3A_256 = vector.extract_strided_slice %get3A_210 {offsets = [5], sizes = [1], strides = [1]} : vector<16xi32> to vector<1xi32>
          %squeeze3A_257 = vector.extract %slice3A_256[0] : i32 from vector<1xi32>
          %dma_start3A_258 = arith.constant 1 : i32
          %dma_start3A_259 = arith.constant 5 : i32
          %dma_start3A_260 = arith.constant 0 : i32
          %dma_start3A_261 = tpu.memref_slice %arg6[%arg1, %dma_start3A_258, %dma_start3A_259, %dma_start3A_260] : memref<16x2x16x3584xf32, #tpu.memory_space<vmem_shared>> -> memref<1x1x1x3584xf32, #tpu.memory_space<vmem_shared>>
          %dma_start3A_262 = tpu.memref_squeeze %dma_start3A_261 : memref<1x1x1x3584xf32, #tpu.memory_space<vmem_shared>> -> memref<1x3584xf32, #tpu.memory_space<vmem_shared>>
          %dma_start3A_263 = arith.constant 0 : i32
          %dma_start3A_264 = tpu.memref_slice %arg2[%squeeze3A_257, %dma_start3A_263] : memref<152064x3584xf32, #tpu.memory_space<hbm>> -> memref<1x3584xf32, #tpu.memory_space<hbm>>
          tpu.enqueue_dma source(%dma_start3A_264 : memref<1x3584xf32, #tpu.memory_space<hbm>>) target(%dma_start3A_262 : memref<1x3584xf32, #tpu.memory_space<vmem_shared>>) target_semaphore(%arg8 : memref<!tpu.dma_semaphore, #tpu.memory_space<semaphore_mem>>)
          %slice3A_265 = vector.extract_strided_slice %get3A_210 {offsets = [6], sizes = [1], strides = [1]} : vector<16xi32> to vector<1xi32>
          %squeeze3A_266 = vector.extract %slice3A_265[0] : i32 from vector<1xi32>
          %dma_start3A_267 = arith.constant 1 : i32
          %dma_start3A_268 = arith.constant 6 : i32
          %dma_start3A_269 = arith.constant 0 : i32
          %dma_start3A_270 = tpu.memref_slice %arg6[%arg1, %dma_start3A_267, %dma_start3A_268, %dma_start3A_269] : memref<16x2x16x3584xf32, #tpu.memory_space<vmem_shared>> -> memref<1x1x1x3584xf32, #tpu.memory_space<vmem_shared>>
          %dma_start3A_271 = tpu.memref_squeeze %dma_start3A_270 : memref<1x1x1x3584xf32, #tpu.memory_space<vmem_shared>> -> memref<1x3584xf32, #tpu.memory_space<vmem_shared>>
          %dma_start3A_272 = arith.constant 0 : i32
          %dma_start3A_273 = tpu.memref_slice %arg2[%squeeze3A_266, %dma_start3A_272] : memref<152064x3584xf32, #tpu.memory_space<hbm>> -> memref<1x3584xf32, #tpu.memory_space<hbm>>
          tpu.enqueue_dma source(%dma_start3A_273 : memref<1x3584xf32, #tpu.memory_space<hbm>>) target(%dma_start3A_271 : memref<1x3584xf32, #tpu.memory_space<vmem_shared>>) target_semaphore(%arg8 : memref<!tpu.dma_semaphore, #tpu.memory_space<semaphore_mem>>)
          %slice3A_274 = vector.extract_strided_slice %get3A_210 {offsets = [7], sizes = [1], strides = [1]} : vector<16xi32> to vector<1xi32>
          %squeeze3A_275 = vector.extract %slice3A_274[0] : i32 from vector<1xi32>
          %dma_start3A_276 = arith.constant 1 : i32
          %dma_start3A_277 = arith.constant 7 : i32
          %dma_start3A_278 = arith.constant 0 : i32
          %dma_start3A_279 = tpu.memref_slice %arg6[%arg1, %dma_start3A_276, %dma_start3A_277, %dma_start3A_278] : memref<16x2x16x3584xf32, #tpu.memory_space<vmem_shared>> -> memref<1x1x1x3584xf32, #tpu.memory_space<vmem_shared>>
          %dma_start3A_280 = tpu.memref_squeeze %dma_start3A_279 : memref<1x1x1x3584xf32, #tpu.memory_space<vmem_shared>> -> memref<1x3584xf32, #tpu.memory_space<vmem_shared>>
          %dma_start3A_281 = arith.constant 0 : i32
          %dma_start3A_282 = tpu.memref_slice %arg2[%squeeze3A_275, %dma_start3A_281] : memref<152064x3584xf32, #tpu.memory_space<hbm>> -> memref<1x3584xf32, #tpu.memory_space<hbm>>
          tpu.enqueue_dma source(%dma_start3A_282 : memref<1x3584xf32, #tpu.memory_space<hbm>>) target(%dma_start3A_280 : memref<1x3584xf32, #tpu.memory_space<vmem_shared>>) target_semaphore(%arg8 : memref<!tpu.dma_semaphore, #tpu.memory_space<semaphore_mem>>)
          %slice3A_283 = vector.extract_strided_slice %get3A_210 {offsets = [8], sizes = [1], strides = [1]} : vector<16xi32> to vector<1xi32>
          %squeeze3A_284 = vector.extract %slice3A_283[0] : i32 from vector<1xi32>
          %dma_start3A_285 = arith.constant 1 : i32
          %dma_start3A_286 = arith.constant 8 : i32
          %dma_start3A_287 = arith.constant 0 : i32
          %dma_start3A_288 = tpu.memref_slice %arg6[%arg1, %dma_start3A_285, %dma_start3A_286, %dma_start3A_287] : memref<16x2x16x3584xf32, #tpu.memory_space<vmem_shared>> -> memref<1x1x1x3584xf32, #tpu.memory_space<vmem_shared>>
          %dma_start3A_289 = tpu.memref_squeeze %dma_start3A_288 : memref<1x1x1x3584xf32, #tpu.memory_space<vmem_shared>> -> memref<1x3584xf32, #tpu.memory_space<vmem_shared>>
          %dma_start3A_290 = arith.constant 0 : i32
          %dma_start3A_291 = tpu.memref_slice %arg2[%squeeze3A_284, %dma_start3A_290] : memref<152064x3584xf32, #tpu.memory_space<hbm>> -> memref<1x3584xf32, #tpu.memory_space<hbm>>
          tpu.enqueue_dma source(%dma_start3A_291 : memref<1x3584xf32, #tpu.memory_space<hbm>>) target(%dma_start3A_289 : memref<1x3584xf32, #tpu.memory_space<vmem_shared>>) target_semaphore(%arg8 : memref<!tpu.dma_semaphore, #tpu.memory_space<semaphore_mem>>)
          %slice3A_292 = vector.extract_strided_slice %get3A_210 {offsets = [9], sizes = [1], strides = [1]} : vector<16xi32> to vector<1xi32>
          %squeeze3A_293 = vector.extract %slice3A_292[0] : i32 from vector<1xi32>
          %dma_start3A_294 = arith.constant 1 : i32
          %dma_start3A_295 = arith.constant 9 : i32
          %dma_start3A_296 = arith.constant 0 : i32
          %dma_start3A_297 = tpu.memref_slice %arg6[%arg1, %dma_start3A_294, %dma_start3A_295, %dma_start3A_296] : memref<16x2x16x3584xf32, #tpu.memory_space<vmem_shared>> -> memref<1x1x1x3584xf32, #tpu.memory_space<vmem_shared>>
          %dma_start3A_298 = tpu.memref_squeeze %dma_start3A_297 : memref<1x1x1x3584xf32, #tpu.memory_space<vmem_shared>> -> memref<1x3584xf32, #tpu.memory_space<vmem_shared>>
          %dma_start3A_299 = arith.constant 0 : i32
          %dma_start3A_300 = tpu.memref_slice %arg2[%squeeze3A_293, %dma_start3A_299] : memref<152064x3584xf32, #tpu.memory_space<hbm>> -> memref<1x3584xf32, #tpu.memory_space<hbm>>
          tpu.enqueue_dma source(%dma_start3A_300 : memref<1x3584xf32, #tpu.memory_space<hbm>>) target(%dma_start3A_298 : memref<1x3584xf32, #tpu.memory_space<vmem_shared>>) target_semaphore(%arg8 : memref<!tpu.dma_semaphore, #tpu.memory_space<semaphore_mem>>)
          %slice3A_301 = vector.extract_strided_slice %get3A_210 {offsets = [10], sizes = [1], strides = [1]} : vector<16xi32> to vector<1xi32>
          %squeeze3A_302 = vector.extract %slice3A_301[0] : i32 from vector<1xi32>
          %dma_start3A_303 = arith.constant 1 : i32
          %dma_start3A_304 = arith.constant 10 : i32
          %dma_start3A_305 = arith.constant 0 : i32
          %dma_start3A_306 = tpu.memref_slice %arg6[%arg1, %dma_start3A_303, %dma_start3A_304, %dma_start3A_305] : memref<16x2x16x3584xf32, #tpu.memory_space<vmem_shared>> -> memref<1x1x1x3584xf32, #tpu.memory_space<vmem_shared>>
          %dma_start3A_307 = tpu.memref_squeeze %dma_start3A_306 : memref<1x1x1x3584xf32, #tpu.memory_space<vmem_shared>> -> memref<1x3584xf32, #tpu.memory_space<vmem_shared>>
          %dma_start3A_308 = arith.constant 0 : i32
          %dma_start3A_309 = tpu.memref_slice %arg2[%squeeze3A_302, %dma_start3A_308] : memref<152064x3584xf32, #tpu.memory_space<hbm>> -> memref<1x3584xf32, #tpu.memory_space<hbm>>
          tpu.enqueue_dma source(%dma_start3A_309 : memref<1x3584xf32, #tpu.memory_space<hbm>>) target(%dma_start3A_307 : memref<1x3584xf32, #tpu.memory_space<vmem_shared>>) target_semaphore(%arg8 : memref<!tpu.dma_semaphore, #tpu.memory_space<semaphore_mem>>)
          %slice3A_310 = vector.extract_strided_slice %get3A_210 {offsets = [11], sizes = [1], strides = [1]} : vector<16xi32> to vector<1xi32>
          %squeeze3A_311 = vector.extract %slice3A_310[0] : i32 from vector<1xi32>
          %dma_start3A_312 = arith.constant 1 : i32
          %dma_start3A_313 = arith.constant 11 : i32
          %dma_start3A_314 = arith.constant 0 : i32
          %dma_start3A_315 = tpu.memref_slice %arg6[%arg1, %dma_start3A_312, %dma_start3A_313, %dma_start3A_314] : memref<16x2x16x3584xf32, #tpu.memory_space<vmem_shared>> -> memref<1x1x1x3584xf32, #tpu.memory_space<vmem_shared>>
          %dma_start3A_316 = tpu.memref_squeeze %dma_start3A_315 : memref<1x1x1x3584xf32, #tpu.memory_space<vmem_shared>> -> memref<1x3584xf32, #tpu.memory_space<vmem_shared>>
          %dma_start3A_317 = arith.constant 0 : i32
          %dma_start3A_318 = tpu.memref_slice %arg2[%squeeze3A_311, %dma_start3A_317] : memref<152064x3584xf32, #tpu.memory_space<hbm>> -> memref<1x3584xf32, #tpu.memory_space<hbm>>
          tpu.enqueue_dma source(%dma_start3A_318 : memref<1x3584xf32, #tpu.memory_space<hbm>>) target(%dma_start3A_316 : memref<1x3584xf32, #tpu.memory_space<vmem_shared>>) target_semaphore(%arg8 : memref<!tpu.dma_semaphore, #tpu.memory_space<semaphore_mem>>)
          %slice3A_319 = vector.extract_strided_slice %get3A_210 {offsets = [12], sizes = [1], strides = [1]} : vector<16xi32> to vector<1xi32>
          %squeeze3A_320 = vector.extract %slice3A_319[0] : i32 from vector<1xi32>
          %dma_start3A_321 = arith.constant 1 : i32
          %dma_start3A_322 = arith.constant 12 : i32
          %dma_start3A_323 = arith.constant 0 : i32
          %dma_start3A_324 = tpu.memref_slice %arg6[%arg1, %dma_start3A_321, %dma_start3A_322, %dma_start3A_323] : memref<16x2x16x3584xf32, #tpu.memory_space<vmem_shared>> -> memref<1x1x1x3584xf32, #tpu.memory_space<vmem_shared>>
          %dma_start3A_325 = tpu.memref_squeeze %dma_start3A_324 : memref<1x1x1x3584xf32, #tpu.memory_space<vmem_shared>> -> memref<1x3584xf32, #tpu.memory_space<vmem_shared>>
          %dma_start3A_326 = arith.constant 0 : i32
          %dma_start3A_327 = tpu.memref_slice %arg2[%squeeze3A_320, %dma_start3A_326] : memref<152064x3584xf32, #tpu.memory_space<hbm>> -> memref<1x3584xf32, #tpu.memory_space<hbm>>
          tpu.enqueue_dma source(%dma_start3A_327 : memref<1x3584xf32, #tpu.memory_space<hbm>>) target(%dma_start3A_325 : memref<1x3584xf32, #tpu.memory_space<vmem_shared>>) target_semaphore(%arg8 : memref<!tpu.dma_semaphore, #tpu.memory_space<semaphore_mem>>)
          %slice3A_328 = vector.extract_strided_slice %get3A_210 {offsets = [13], sizes = [1], strides = [1]} : vector<16xi32> to vector<1xi32>
          %squeeze3A_329 = vector.extract %slice3A_328[0] : i32 from vector<1xi32>
          %dma_start3A_330 = arith.constant 1 : i32
          %dma_start3A_331 = arith.constant 13 : i32
          %dma_start3A_332 = arith.constant 0 : i32
          %dma_start3A_333 = tpu.memref_slice %arg6[%arg1, %dma_start3A_330, %dma_start3A_331, %dma_start3A_332] : memref<16x2x16x3584xf32, #tpu.memory_space<vmem_shared>> -> memref<1x1x1x3584xf32, #tpu.memory_space<vmem_shared>>
          %dma_start3A_334 = tpu.memref_squeeze %dma_start3A_333 : memref<1x1x1x3584xf32, #tpu.memory_space<vmem_shared>> -> memref<1x3584xf32, #tpu.memory_space<vmem_shared>>
          %dma_start3A_335 = arith.constant 0 : i32
          %dma_start3A_336 = tpu.memref_slice %arg2[%squeeze3A_329, %dma_start3A_335] : memref<152064x3584xf32, #tpu.memory_space<hbm>> -> memref<1x3584xf32, #tpu.memory_space<hbm>>
          tpu.enqueue_dma source(%dma_start3A_336 : memref<1x3584xf32, #tpu.memory_space<hbm>>) target(%dma_start3A_334 : memref<1x3584xf32, #tpu.memory_space<vmem_shared>>) target_semaphore(%arg8 : memref<!tpu.dma_semaphore, #tpu.memory_space<semaphore_mem>>)
          %slice3A_337 = vector.extract_strided_slice %get3A_210 {offsets = [14], sizes = [1], strides = [1]} : vector<16xi32> to vector<1xi32>
          %squeeze3A_338 = vector.extract %slice3A_337[0] : i32 from vector<1xi32>
          %dma_start3A_339 = arith.constant 1 : i32
          %dma_start3A_340 = arith.constant 14 : i32
          %dma_start3A_341 = arith.constant 0 : i32
          %dma_start3A_342 = tpu.memref_slice %arg6[%arg1, %dma_start3A_339, %dma_start3A_340, %dma_start3A_341] : memref<16x2x16x3584xf32, #tpu.memory_space<vmem_shared>> -> memref<1x1x1x3584xf32, #tpu.memory_space<vmem_shared>>
          %dma_start3A_343 = tpu.memref_squeeze %dma_start3A_342 : memref<1x1x1x3584xf32, #tpu.memory_space<vmem_shared>> -> memref<1x3584xf32, #tpu.memory_space<vmem_shared>>
          %dma_start3A_344 = arith.constant 0 : i32
          %dma_start3A_345 = tpu.memref_slice %arg2[%squeeze3A_338, %dma_start3A_344] : memref<152064x3584xf32, #tpu.memory_space<hbm>> -> memref<1x3584xf32, #tpu.memory_space<hbm>>
          tpu.enqueue_dma source(%dma_start3A_345 : memref<1x3584xf32, #tpu.memory_space<hbm>>) target(%dma_start3A_343 : memref<1x3584xf32, #tpu.memory_space<vmem_shared>>) target_semaphore(%arg8 : memref<!tpu.dma_semaphore, #tpu.memory_space<semaphore_mem>>)
          %slice3A_346 = vector.extract_strided_slice %get3A_210 {offsets = [15], sizes = [1], strides = [1]} : vector<16xi32> to vector<1xi32>
          %squeeze3A_347 = vector.extract %slice3A_346[0] : i32 from vector<1xi32>
          %dma_start3A_348 = arith.constant 1 : i32
          %dma_start3A_349 = arith.constant 15 : i32
          %dma_start3A_350 = arith.constant 0 : i32
          %dma_start3A_351 = tpu.memref_slice %arg6[%arg1, %dma_start3A_348, %dma_start3A_349, %dma_start3A_350] : memref<16x2x16x3584xf32, #tpu.memory_space<vmem_shared>> -> memref<1x1x1x3584xf32, #tpu.memory_space<vmem_shared>>
          %dma_start3A_352 = tpu.memref_squeeze %dma_start3A_351 : memref<1x1x1x3584xf32, #tpu.memory_space<vmem_shared>> -> memref<1x3584xf32, #tpu.memory_space<vmem_shared>>
          %dma_start3A_353 = arith.constant 0 : i32
          %dma_start3A_354 = tpu.memref_slice %arg2[%squeeze3A_347, %dma_start3A_353] : memref<152064x3584xf32, #tpu.memory_space<hbm>> -> memref<1x3584xf32, #tpu.memory_space<hbm>>
          tpu.enqueue_dma source(%dma_start3A_354 : memref<1x3584xf32, #tpu.memory_space<hbm>>) target(%dma_start3A_352 : memref<1x3584xf32, #tpu.memory_space<vmem_shared>>) target_semaphore(%arg8 : memref<!tpu.dma_semaphore, #tpu.memory_space<semaphore_mem>>)
        } else {
        }
        %dma_wait3A_184 = arith.constant 0 : i32
        %dma_wait3A_185 = arith.constant 0 : i32
        %dma_wait3A_186 = arith.constant 0 : i32
        %dma_wait3A_187 = tpu.memref_slice %arg6[%arg1, %dma_wait3A_184, %dma_wait3A_185, %dma_wait3A_186] : memref<16x2x16x3584xf32, #tpu.memory_space<vmem_shared>> -> memref<1x1x16x3584xf32, #tpu.memory_space<vmem_shared>>
        %dma_wait3A_188 = tpu.memref_squeeze %dma_wait3A_187 : memref<1x1x16x3584xf32, #tpu.memory_space<vmem_shared>> -> memref<16x3584xf32, #tpu.memory_space<vmem_shared>>
        %dma_wait3A_189 = arith.constant 0 : i32
        %dma_wait3A_190 = arith.constant 0 : i32
        %dma_wait3A_191 = tpu.memref_slice %arg2[%dma_wait3A_189, %dma_wait3A_190] : memref<152064x3584xf32, #tpu.memory_space<hbm>> -> memref<16x3584xf32, #tpu.memory_space<hbm>>
        tpu.wait_dma2 semaphore(%arg7 : memref<!tpu.dma_semaphore, #tpu.memory_space<semaphore_mem>>) src(%dma_wait3A_191 : memref<16x3584xf32, #tpu.memory_space<hbm>>) dst(%dma_wait3A_188 : memref<16x3584xf32, #tpu.memory_space<vmem_shared>>)
        %mul3A_192 = arith.constant 16 : i32
        %mul3A_193 = arith.muli %scan3A_165, %mul3A_192 : i32
        %add3A_194 = arith.addi %mul3A_2, %mul3A_193 : i32
        %dma_start3A_195 = arith.constant 0 : i32
        %dma_start3A_196 = arith.constant 0 : i32
        %dma_start3A_197 = tpu.memref_slice %arg4[%add3A_194, %dma_start3A_196] : memref<32768x3584xf32, #tpu.memory_space<hbm>> -> memref<16x3584xf32, #tpu.memory_space<hbm>>
        %dma_start3A_198 = arith.constant 0 : i32
        %dma_start3A_199 = arith.constant 0 : i32
        %dma_start3A_200 = tpu.memref_slice %arg6[%arg1, %dma_start3A_195, %dma_start3A_198, %dma_start3A_199] : memref<16x2x16x3584xf32, #tpu.memory_space<vmem_shared>> -> memref<1x1x16x3584xf32, #tpu.memory_space<vmem_shared>>
        %dma_start3A_201 = tpu.memref_squeeze %dma_start3A_200 : memref<1x1x16x3584xf32, #tpu.memory_space<vmem_shared>> -> memref<16x3584xf32, #tpu.memory_space<vmem_shared>>
        tpu.enqueue_dma source(%dma_start3A_201 : memref<16x3584xf32, #tpu.memory_space<vmem_shared>>) target(%dma_start3A_197 : memref<16x3584xf32, #tpu.memory_space<hbm>>) target_semaphore(%arg9 : memref<!tpu.dma_semaphore, #tpu.memory_space<semaphore_mem>>)
      } else {
      }
      %rem3A_172 = arith.constant 2 : i32
      %rem3A_173 = arith.remsi %scan3A_165, %rem3A_172 : i32
      %eq3A_174 = arith.constant 1 : i32
      %eq3A_175 = arith.cmpi eq, %rem3A_173, %eq3A_174 : i32
      %convert_element_type3A_176 = arith.extui %eq3A_175 : i1 to i32
      %cond3A_177 = arith.constant 0 : i32
      %cond3A_178 = arith.cmpi ne, %convert_element_type3A_176, %cond3A_177 : i32
      scf.if %cond3A_178 {
        %lt3A = arith.constant 64 : i32
        %lt3A_180 = arith.cmpi slt, %add3A_168, %lt3A : i32
        %convert_element_type3A_181 = arith.extui %lt3A_180 : i1 to i32
        %cond3A_182 = arith.constant 0 : i32
        %cond3A_183 = arith.cmpi ne, %convert_element_type3A_181, %cond3A_182 : i32
        scf.if %cond3A_183 {
          %ge3A = arith.constant 2 : i32
          %ge3A_202 = arith.cmpi sge, %add3A_168, %ge3A : i32
          %convert_element_type3A_203 = arith.extui %ge3A_202 : i1 to i32
          %cond3A_204 = arith.constant 0 : i32
          %cond3A_205 = arith.cmpi ne, %convert_element_type3A_203, %cond3A_204 : i32
          scf.if %cond3A_205 {
            %dma_wait3A_355 = arith.constant 0 : i32
            %dma_wait3A_356 = arith.constant 0 : i32
            %dma_wait3A_357 = tpu.memref_slice %arg4[%mul3A_2, %dma_wait3A_356] : memref<32768x3584xf32, #tpu.memory_space<hbm>> -> memref<16x3584xf32, #tpu.memory_space<hbm>>
            %dma_wait3A_358 = arith.constant 0 : i32
            %dma_wait3A_359 = arith.constant 0 : i32
            %dma_wait3A_360 = tpu.memref_slice %arg6[%arg1, %dma_wait3A_355, %dma_wait3A_358, %dma_wait3A_359] : memref<16x2x16x3584xf32, #tpu.memory_space<vmem_shared>> -> memref<1x1x16x3584xf32, #tpu.memory_space<vmem_shared>>
            %dma_wait3A_361 = tpu.memref_squeeze %dma_wait3A_360 : memref<1x1x16x3584xf32, #tpu.memory_space<vmem_shared>> -> memref<16x3584xf32, #tpu.memory_space<vmem_shared>>
            tpu.wait_dma2 semaphore(%arg9 : memref<!tpu.dma_semaphore, #tpu.memory_space<semaphore_mem>>) src(%dma_wait3A_361 : memref<16x3584xf32, #tpu.memory_space<vmem_shared>>) dst(%dma_wait3A_357 : memref<16x3584xf32, #tpu.memory_space<hbm>>)
          } else {
          }
          %mul3A_206 = arith.constant 16 : i32
          %mul3A_207 = arith.muli %add3A_168, %mul3A_206 : i32
          %get3A_208 = arith.index_cast %mul3A_207 : i32 to index
          %get3A_209 = tpu.vector_load %arg5[%get3A_208] {strides = array<i32>} : memref<1024xi32, #tpu.memory_space<vmem>>, vector<16xi32>,
          %get3A_210 = vector.shape_cast %get3A_209 : vector<16xi32> to vector<16xi32>
          %slice3A_211 = vector.extract_strided_slice %get3A_210 {offsets = [0], sizes = [1], strides = [1]} : vector<16xi32> to vector<1xi32>
          %squeeze3A_212 = vector.extract %slice3A_211[0] : i32 from vector<1xi32>
          %dma_start3A_213 = arith.constant 0 : i32
          %dma_start3A_214 = arith.constant 0 : i32
          %dma_start3A_215 = arith.constant 0 : i32
          %dma_start3A_216 = tpu.memref_slice %arg6[%arg1, %dma_start3A_213, %dma_start3A_214, %dma_start3A_215] : memref<16x2x16x3584xf32, #tpu.memory_space<vmem_shared>> -> memref<1x1x1x3584xf32, #tpu.memory_space<vmem_shared>>
          %dma_start3A_217 = tpu.memref_squeeze %dma_start3A_216 : memref<1x1x1x3584xf32, #tpu.memory_space<vmem_shared>> -> memref<1x3584xf32, #tpu.memory_space<vmem_shared>>
          %dma_start3A_218 = arith.constant 0 : i32
          %dma_start3A_219 = tpu.memref_slice %arg2[%squeeze3A_212, %dma_start3A_218] : memref<152064x3584xf32, #tpu.memory_space<hbm>> -> memref<1x3584xf32, #tpu.memory_space<hbm>>
          tpu.enqueue_dma source(%dma_start3A_219 : memref<1x3584xf32, #tpu.memory_space<hbm>>) target(%dma_start3A_217 : memref<1x3584xf32, #tpu.memory_space<vmem_shared>>) target_semaphore(%arg7 : memref<!tpu.dma_semaphore, #tpu.memory_space<semaphore_mem>>)
          %slice3A_220 = vector.extract_strided_slice %get3A_210 {offsets = [1], sizes = [1], strides = [1]} : vector<16xi32> to vector<1xi32>
          %squeeze3A_221 = vector.extract %slice3A_220[0] : i32 from vector<1xi32>
          %dma_start3A_222 = arith.constant 0 : i32
          %dma_start3A_223 = arith.constant 1 : i32
          %dma_start3A_224 = arith.constant 0 : i32
          %dma_start3A_225 = tpu.memref_slice %arg6[%arg1, %dma_start3A_222, %dma_start3A_223, %dma_start3A_224] : memref<16x2x16x3584xf32, #tpu.memory_space<vmem_shared>> -> memref<1x1x1x3584xf32, #tpu.memory_space<vmem_shared>>
          %dma_start3A_226 = tpu.memref_squeeze %dma_start3A_225 : memref<1x1x1x3584xf32, #tpu.memory_space<vmem_shared>> -> memref<1x3584xf32, #tpu.memory_space<vmem_shared>>
          %dma_start3A_227 = arith.constant 0 : i32
          %dma_start3A_228 = tpu.memref_slice %arg2[%squeeze3A_221, %dma_start3A_227] : memref<152064x3584xf32, #tpu.memory_space<hbm>> -> memref<1x3584xf32, #tpu.memory_space<hbm>>
          tpu.enqueue_dma source(%dma_start3A_228 : memref<1x3584xf32, #tpu.memory_space<hbm>>) target(%dma_start3A_226 : memref<1x3584xf32, #tpu.memory_space<vmem_shared>>) target_semaphore(%arg7 : memref<!tpu.dma_semaphore, #tpu.memory_space<semaphore_mem>>)
          %slice3A_229 = vector.extract_strided_slice %get3A_210 {offsets = [2], sizes = [1], strides = [1]} : vector<16xi32> to vector<1xi32>
          %squeeze3A_230 = vector.extract %slice3A_229[0] : i32 from vector<1xi32>
          %dma_start3A_231 = arith.constant 0 : i32
          %dma_start3A_232 = arith.constant 2 : i32
          %dma_start3A_233 = arith.constant 0 : i32
          %dma_start3A_234 = tpu.memref_slice %arg6[%arg1, %dma_start3A_231, %dma_start3A_232, %dma_start3A_233] : memref<16x2x16x3584xf32, #tpu.memory_space<vmem_shared>> -> memref<1x1x1x3584xf32, #tpu.memory_space<vmem_shared>>
          %dma_start3A_235 = tpu.memref_squeeze %dma_start3A_234 : memref<1x1x1x3584xf32, #tpu.memory_space<vmem_shared>> -> memref<1x3584xf32, #tpu.memory_space<vmem_shared>>
          %dma_start3A_236 = arith.constant 0 : i32
          %dma_start3A_237 = tpu.memref_slice %arg2[%squeeze3A_230, %dma_start3A_236] : memref<152064x3584xf32, #tpu.memory_space<hbm>> -> memref<1x3584xf32, #tpu.memory_space<hbm>>
          tpu.enqueue_dma source(%dma_start3A_237 : memref<1x3584xf32, #tpu.memory_space<hbm>>) target(%dma_start3A_235 : memref<1x3584xf32, #tpu.memory_space<vmem_shared>>) target_semaphore(%arg7 : memref<!tpu.dma_semaphore, #tpu.memory_space<semaphore_mem>>)
          %slice3A_238 = vector.extract_strided_slice %get3A_210 {offsets = [3], sizes = [1], strides = [1]} : vector<16xi32> to vector<1xi32>
          %squeeze3A_239 = vector.extract %slice3A_238[0] : i32 from vector<1xi32>
          %dma_start3A_240 = arith.constant 0 : i32
          %dma_start3A_241 = arith.constant 3 : i32
          %dma_start3A_242 = arith.constant 0 : i32
          %dma_start3A_243 = tpu.memref_slice %arg6[%arg1, %dma_start3A_240, %dma_start3A_241, %dma_start3A_242] : memref<16x2x16x3584xf32, #tpu.memory_space<vmem_shared>> -> memref<1x1x1x3584xf32, #tpu.memory_space<vmem_shared>>
          %dma_start3A_244 = tpu.memref_squeeze %dma_start3A_243 : memref<1x1x1x3584xf32, #tpu.memory_space<vmem_shared>> -> memref<1x3584xf32, #tpu.memory_space<vmem_shared>>
          %dma_start3A_245 = arith.constant 0 : i32
          %dma_start3A_246 = tpu.memref_slice %arg2[%squeeze3A_239, %dma_start3A_245] : memref<152064x3584xf32, #tpu.memory_space<hbm>> -> memref<1x3584xf32, #tpu.memory_space<hbm>>
          tpu.enqueue_dma source(%dma_start3A_246 : memref<1x3584xf32, #tpu.memory_space<hbm>>) target(%dma_start3A_244 : memref<1x3584xf32, #tpu.memory_space<vmem_shared>>) target_semaphore(%arg7 : memref<!tpu.dma_semaphore, #tpu.memory_space<semaphore_mem>>)
          %slice3A_247 = vector.extract_strided_slice %get3A_210 {offsets = [4], sizes = [1], strides = [1]} : vector<16xi32> to vector<1xi32>
          %squeeze3A_248 = vector.extract %slice3A_247[0] : i32 from vector<1xi32>
          %dma_start3A_249 = arith.constant 0 : i32
          %dma_start3A_250 = arith.constant 4 : i32
          %dma_start3A_251 = arith.constant 0 : i32
          %dma_start3A_252 = tpu.memref_slice %arg6[%arg1, %dma_start3A_249, %dma_start3A_250, %dma_start3A_251] : memref<16x2x16x3584xf32, #tpu.memory_space<vmem_shared>> -> memref<1x1x1x3584xf32, #tpu.memory_space<vmem_shared>>
          %dma_start3A_253 = tpu.memref_squeeze %dma_start3A_252 : memref<1x1x1x3584xf32, #tpu.memory_space<vmem_shared>> -> memref<1x3584xf32, #tpu.memory_space<vmem_shared>>
          %dma_start3A_254 = arith.constant 0 : i32
          %dma_start3A_255 = tpu.memref_slice %arg2[%squeeze3A_248, %dma_start3A_254] : memref<152064x3584xf32, #tpu.memory_space<hbm>> -> memref<1x3584xf32, #tpu.memory_space<hbm>>
          tpu.enqueue_dma source(%dma_start3A_255 : memref<1x3584xf32, #tpu.memory_space<hbm>>) target(%dma_start3A_253 : memref<1x3584xf32, #tpu.memory_space<vmem_shared>>) target_semaphore(%arg7 : memref<!tpu.dma_semaphore, #tpu.memory_space<semaphore_mem>>)
          %slice3A_256 = vector.extract_strided_slice %get3A_210 {offsets = [5], sizes = [1], strides = [1]} : vector<16xi32> to vector<1xi32>
          %squeeze3A_257 = vector.extract %slice3A_256[0] : i32 from vector<1xi32>
          %dma_start3A_258 = arith.constant 0 : i32
          %dma_start3A_259 = arith.constant 5 : i32
          %dma_start3A_260 = arith.constant 0 : i32
          %dma_start3A_261 = tpu.memref_slice %arg6[%arg1, %dma_start3A_258, %dma_start3A_259, %dma_start3A_260] : memref<16x2x16x3584xf32, #tpu.memory_space<vmem_shared>> -> memref<1x1x1x3584xf32, #tpu.memory_space<vmem_shared>>
          %dma_start3A_262 = tpu.memref_squeeze %dma_start3A_261 : memref<1x1x1x3584xf32, #tpu.memory_space<vmem_shared>> -> memref<1x3584xf32, #tpu.memory_space<vmem_shared>>
          %dma_start3A_263 = arith.constant 0 : i32
          %dma_start3A_264 = tpu.memref_slice %arg2[%squeeze3A_257, %dma_start3A_263] : memref<152064x3584xf32, #tpu.memory_space<hbm>> -> memref<1x3584xf32, #tpu.memory_space<hbm>>
          tpu.enqueue_dma source(%dma_start3A_264 : memref<1x3584xf32, #tpu.memory_space<hbm>>) target(%dma_start3A_262 : memref<1x3584xf32, #tpu.memory_space<vmem_shared>>) target_semaphore(%arg7 : memref<!tpu.dma_semaphore, #tpu.memory_space<semaphore_mem>>)
          %slice3A_265 = vector.extract_strided_slice %get3A_210 {offsets = [6], sizes = [1], strides = [1]} : vector<16xi32> to vector<1xi32>
          %squeeze3A_266 = vector.extract %slice3A_265[0] : i32 from vector<1xi32>
          %dma_start3A_267 = arith.constant 0 : i32
          %dma_start3A_268 = arith.constant 6 : i32
          %dma_start3A_269 = arith.constant 0 : i32
          %dma_start3A_270 = tpu.memref_slice %arg6[%arg1, %dma_start3A_267, %dma_start3A_268, %dma_start3A_269] : memref<16x2x16x3584xf32, #tpu.memory_space<vmem_shared>> -> memref<1x1x1x3584xf32, #tpu.memory_space<vmem_shared>>
          %dma_start3A_271 = tpu.memref_squeeze %dma_start3A_270 : memref<1x1x1x3584xf32, #tpu.memory_space<vmem_shared>> -> memref<1x3584xf32, #tpu.memory_space<vmem_shared>>
          %dma_start3A_272 = arith.constant 0 : i32
          %dma_start3A_273 = tpu.memref_slice %arg2[%squeeze3A_266, %dma_start3A_272] : memref<152064x3584xf32, #tpu.memory_space<hbm>> -> memref<1x3584xf32, #tpu.memory_space<hbm>>
          tpu.enqueue_dma source(%dma_start3A_273 : memref<1x3584xf32, #tpu.memory_space<hbm>>) target(%dma_start3A_271 : memref<1x3584xf32, #tpu.memory_space<vmem_shared>>) target_semaphore(%arg7 : memref<!tpu.dma_semaphore, #tpu.memory_space<semaphore_mem>>)
          %slice3A_274 = vector.extract_strided_slice %get3A_210 {offsets = [7], sizes = [1], strides = [1]} : vector<16xi32> to vector<1xi32>
          %squeeze3A_275 = vector.extract %slice3A_274[0] : i32 from vector<1xi32>
          %dma_start3A_276 = arith.constant 0 : i32
          %dma_start3A_277 = arith.constant 7 : i32
          %dma_start3A_278 = arith.constant 0 : i32
          %dma_start3A_279 = tpu.memref_slice %arg6[%arg1, %dma_start3A_276, %dma_start3A_277, %dma_start3A_278] : memref<16x2x16x3584xf32, #tpu.memory_space<vmem_shared>> -> memref<1x1x1x3584xf32, #tpu.memory_space<vmem_shared>>
          %dma_start3A_280 = tpu.memref_squeeze %dma_start3A_279 : memref<1x1x1x3584xf32, #tpu.memory_space<vmem_shared>> -> memref<1x3584xf32, #tpu.memory_space<vmem_shared>>
          %dma_start3A_281 = arith.constant 0 : i32
          %dma_start3A_282 = tpu.memref_slice %arg2[%squeeze3A_275, %dma_start3A_281] : memref<152064x3584xf32, #tpu.memory_space<hbm>> -> memref<1x3584xf32, #tpu.memory_space<hbm>>
          tpu.enqueue_dma source(%dma_start3A_282 : memref<1x3584xf32, #tpu.memory_space<hbm>>) target(%dma_start3A_280 : memref<1x3584xf32, #tpu.memory_space<vmem_shared>>) target_semaphore(%arg7 : memref<!tpu.dma_semaphore, #tpu.memory_space<semaphore_mem>>)
          %slice3A_283 = vector.extract_strided_slice %get3A_210 {offsets = [8], sizes = [1], strides = [1]} : vector<16xi32> to vector<1xi32>
          %squeeze3A_284 = vector.extract %slice3A_283[0] : i32 from vector<1xi32>
          %dma_start3A_285 = arith.constant 0 : i32
          %dma_start3A_286 = arith.constant 8 : i32
          %dma_start3A_287 = arith.constant 0 : i32
          %dma_start3A_288 = tpu.memref_slice %arg6[%arg1, %dma_start3A_285, %dma_start3A_286, %dma_start3A_287] : memref<16x2x16x3584xf32, #tpu.memory_space<vmem_shared>> -> memref<1x1x1x3584xf32, #tpu.memory_space<vmem_shared>>
          %dma_start3A_289 = tpu.memref_squeeze %dma_start3A_288 : memref<1x1x1x3584xf32, #tpu.memory_space<vmem_shared>> -> memref<1x3584xf32, #tpu.memory_space<vmem_shared>>
          %dma_start3A_290 = arith.constant 0 : i32
          %dma_start3A_291 = tpu.memref_slice %arg2[%squeeze3A_284, %dma_start3A_290] : memref<152064x3584xf32, #tpu.memory_space<hbm>> -> memref<1x3584xf32, #tpu.memory_space<hbm>>
          tpu.enqueue_dma source(%dma_start3A_291 : memref<1x3584xf32, #tpu.memory_space<hbm>>) target(%dma_start3A_289 : memref<1x3584xf32, #tpu.memory_space<vmem_shared>>) target_semaphore(%arg7 : memref<!tpu.dma_semaphore, #tpu.memory_space<semaphore_mem>>)
          %slice3A_292 = vector.extract_strided_slice %get3A_210 {offsets = [9], sizes = [1], strides = [1]} : vector<16xi32> to vector<1xi32>
          %squeeze3A_293 = vector.extract %slice3A_292[0] : i32 from vector<1xi32>
          %dma_start3A_294 = arith.constant 0 : i32
          %dma_start3A_295 = arith.constant 9 : i32
          %dma_start3A_296 = arith.constant 0 : i32
          %dma_start3A_297 = tpu.memref_slice %arg6[%arg1, %dma_start3A_294, %dma_start3A_295, %dma_start3A_296] : memref<16x2x16x3584xf32, #tpu.memory_space<vmem_shared>> -> memref<1x1x1x3584xf32, #tpu.memory_space<vmem_shared>>
          %dma_start3A_298 = tpu.memref_squeeze %dma_start3A_297 : memref<1x1x1x3584xf32, #tpu.memory_space<vmem_shared>> -> memref<1x3584xf32, #tpu.memory_space<vmem_shared>>
          %dma_start3A_299 = arith.constant 0 : i32
          %dma_start3A_300 = tpu.memref_slice %arg2[%squeeze3A_293, %dma_start3A_299] : memref<152064x3584xf32, #tpu.memory_space<hbm>> -> memref<1x3584xf32, #tpu.memory_space<hbm>>
          tpu.enqueue_dma source(%dma_start3A_300 : memref<1x3584xf32, #tpu.memory_space<hbm>>) target(%dma_start3A_298 : memref<1x3584xf32, #tpu.memory_space<vmem_shared>>) target_semaphore(%arg7 : memref<!tpu.dma_semaphore, #tpu.memory_space<semaphore_mem>>)
          %slice3A_301 = vector.extract_strided_slice %get3A_210 {offsets = [10], sizes = [1], strides = [1]} : vector<16xi32> to vector<1xi32>
          %squeeze3A_302 = vector.extract %slice3A_301[0] : i32 from vector<1xi32>
          %dma_start3A_303 = arith.constant 0 : i32
          %dma_start3A_304 = arith.constant 10 : i32
          %dma_start3A_305 = arith.constant 0 : i32
          %dma_start3A_306 = tpu.memref_slice %arg6[%arg1, %dma_start3A_303, %dma_start3A_304, %dma_start3A_305] : memref<16x2x16x3584xf32, #tpu.memory_space<vmem_shared>> -> memref<1x1x1x3584xf32, #tpu.memory_space<vmem_shared>>
          %dma_start3A_307 = tpu.memref_squeeze %dma_start3A_306 : memref<1x1x1x3584xf32, #tpu.memory_space<vmem_shared>> -> memref<1x3584xf32, #tpu.memory_space<vmem_shared>>
          %dma_start3A_308 = arith.constant 0 : i32
          %dma_start3A_309 = tpu.memref_slice %arg2[%squeeze3A_302, %dma_start3A_308] : memref<152064x3584xf32, #tpu.memory_space<hbm>> -> memref<1x3584xf32, #tpu.memory_space<hbm>>
          tpu.enqueue_dma source(%dma_start3A_309 : memref<1x3584xf32, #tpu.memory_space<hbm>>) target(%dma_start3A_307 : memref<1x3584xf32, #tpu.memory_space<vmem_shared>>) target_semaphore(%arg7 : memref<!tpu.dma_semaphore, #tpu.memory_space<semaphore_mem>>)
          %slice3A_310 = vector.extract_strided_slice %get3A_210 {offsets = [11], sizes = [1], strides = [1]} : vector<16xi32> to vector<1xi32>
          %squeeze3A_311 = vector.extract %slice3A_310[0] : i32 from vector<1xi32>
          %dma_start3A_312 = arith.constant 0 : i32
          %dma_start3A_313 = arith.constant 11 : i32
          %dma_start3A_314 = arith.constant 0 : i32
          %dma_start3A_315 = tpu.memref_slice %arg6[%arg1, %dma_start3A_312, %dma_start3A_313, %dma_start3A_314] : memref<16x2x16x3584xf32, #tpu.memory_space<vmem_shared>> -> memref<1x1x1x3584xf32, #tpu.memory_space<vmem_shared>>
          %dma_start3A_316 = tpu.memref_squeeze %dma_start3A_315 : memref<1x1x1x3584xf32, #tpu.memory_space<vmem_shared>> -> memref<1x3584xf32, #tpu.memory_space<vmem_shared>>
          %dma_start3A_317 = arith.constant 0 : i32
          %dma_start3A_318 = tpu.memref_slice %arg2[%squeeze3A_311, %dma_start3A_317] : memref<152064x3584xf32, #tpu.memory_space<hbm>> -> memref<1x3584xf32, #tpu.memory_space<hbm>>
          tpu.enqueue_dma source(%dma_start3A_318 : memref<1x3584xf32, #tpu.memory_space<hbm>>) target(%dma_start3A_316 : memref<1x3584xf32, #tpu.memory_space<vmem_shared>>) target_semaphore(%arg7 : memref<!tpu.dma_semaphore, #tpu.memory_space<semaphore_mem>>)
          %slice3A_319 = vector.extract_strided_slice %get3A_210 {offsets = [12], sizes = [1], strides = [1]} : vector<16xi32> to vector<1xi32>
          %squeeze3A_320 = vector.extract %slice3A_319[0] : i32 from vector<1xi32>
          %dma_start3A_321 = arith.constant 0 : i32
          %dma_start3A_322 = arith.constant 12 : i32
          %dma_start3A_323 = arith.constant 0 : i32
          %dma_start3A_324 = tpu.memref_slice %arg6[%arg1, %dma_start3A_321, %dma_start3A_322, %dma_start3A_323] : memref<16x2x16x3584xf32, #tpu.memory_space<vmem_shared>> -> memref<1x1x1x3584xf32, #tpu.memory_space<vmem_shared>>
          %dma_start3A_325 = tpu.memref_squeeze %dma_start3A_324 : memref<1x1x1x3584xf32, #tpu.memory_space<vmem_shared>> -> memref<1x3584xf32, #tpu.memory_space<vmem_shared>>
          %dma_start3A_326 = arith.constant 0 : i32
          %dma_start3A_327 = tpu.memref_slice %arg2[%squeeze3A_320, %dma_start3A_326] : memref<152064x3584xf32, #tpu.memory_space<hbm>> -> memref<1x3584xf32, #tpu.memory_space<hbm>>
          tpu.enqueue_dma source(%dma_start3A_327 : memref<1x3584xf32, #tpu.memory_space<hbm>>) target(%dma_start3A_325 : memref<1x3584xf32, #tpu.memory_space<vmem_shared>>) target_semaphore(%arg7 : memref<!tpu.dma_semaphore, #tpu.memory_space<semaphore_mem>>)
          %slice3A_328 = vector.extract_strided_slice %get3A_210 {offsets = [13], sizes = [1], strides = [1]} : vector<16xi32> to vector<1xi32>
          %squeeze3A_329 = vector.extract %slice3A_328[0] : i32 from vector<1xi32>
          %dma_start3A_330 = arith.constant 0 : i32
          %dma_start3A_331 = arith.constant 13 : i32
          %dma_start3A_332 = arith.constant 0 : i32
          %dma_start3A_333 = tpu.memref_slice %arg6[%arg1, %dma_start3A_330, %dma_start3A_331, %dma_start3A_332] : memref<16x2x16x3584xf32, #tpu.memory_space<vmem_shared>> -> memref<1x1x1x3584xf32, #tpu.memory_space<vmem_shared>>
          %dma_start3A_334 = tpu.memref_squeeze %dma_start3A_333 : memref<1x1x1x3584xf32, #tpu.memory_space<vmem_shared>> -> memref<1x3584xf32, #tpu.memory_space<vmem_shared>>
          %dma_start3A_335 = arith.constant 0 : i32
          %dma_start3A_336 = tpu.memref_slice %arg2[%squeeze3A_329, %dma_start3A_335] : memref<152064x3584xf32, #tpu.memory_space<hbm>> -> memref<1x3584xf32, #tpu.memory_space<hbm>>
          tpu.enqueue_dma source(%dma_start3A_336 : memref<1x3584xf32, #tpu.memory_space<hbm>>) target(%dma_start3A_334 : memref<1x3584xf32, #tpu.memory_space<vmem_shared>>) target_semaphore(%arg7 : memref<!tpu.dma_semaphore, #tpu.memory_space<semaphore_mem>>)
          %slice3A_337 = vector.extract_strided_slice %get3A_210 {offsets = [14], sizes = [1], strides = [1]} : vector<16xi32> to vector<1xi32>
          %squeeze3A_338 = vector.extract %slice3A_337[0] : i32 from vector<1xi32>
          %dma_start3A_339 = arith.constant 0 : i32
          %dma_start3A_340 = arith.constant 14 : i32
          %dma_start3A_341 = arith.constant 0 : i32
          %dma_start3A_342 = tpu.memref_slice %arg6[%arg1, %dma_start3A_339, %dma_start3A_340, %dma_start3A_341] : memref<16x2x16x3584xf32, #tpu.memory_space<vmem_shared>> -> memref<1x1x1x3584xf32, #tpu.memory_space<vmem_shared>>
          %dma_start3A_343 = tpu.memref_squeeze %dma_start3A_342 : memref<1x1x1x3584xf32, #tpu.memory_space<vmem_shared>> -> memref<1x3584xf32, #tpu.memory_space<vmem_shared>>
          %dma_start3A_344 = arith.constant 0 : i32
          %dma_start3A_345 = tpu.memref_slice %arg2[%squeeze3A_338, %dma_start3A_344] : memref<152064x3584xf32, #tpu.memory_space<hbm>> -> memref<1x3584xf32, #tpu.memory_space<hbm>>
          tpu.enqueue_dma source(%dma_start3A_345 : memref<1x3584xf32, #tpu.memory_space<hbm>>) target(%dma_start3A_343 : memref<1x3584xf32, #tpu.memory_space<vmem_shared>>) target_semaphore(%arg7 : memref<!tpu.dma_semaphore, #tpu.memory_space<semaphore_mem>>)
          %slice3A_346 = vector.extract_strided_slice %get3A_210 {offsets = [15], sizes = [1], strides = [1]} : vector<16xi32> to vector<1xi32>
          %squeeze3A_347 = vector.extract %slice3A_346[0] : i32 from vector<1xi32>
          %dma_start3A_348 = arith.constant 0 : i32
          %dma_start3A_349 = arith.constant 15 : i32
          %dma_start3A_350 = arith.constant 0 : i32
          %dma_start3A_351 = tpu.memref_slice %arg6[%arg1, %dma_start3A_348, %dma_start3A_349, %dma_start3A_350] : memref<16x2x16x3584xf32, #tpu.memory_space<vmem_shared>> -> memref<1x1x1x3584xf32, #tpu.memory_space<vmem_shared>>
          %dma_start3A_352 = tpu.memref_squeeze %dma_start3A_351 : memref<1x1x1x3584xf32, #tpu.memory_space<vmem_shared>> -> memref<1x3584xf32, #tpu.memory_space<vmem_shared>>
          %dma_start3A_353 = arith.constant 0 : i32
          %dma_start3A_354 = tpu.memref_slice %arg2[%squeeze3A_347, %dma_start3A_353] : memref<152064x3584xf32, #tpu.memory_space<hbm>> -> memref<1x3584xf32, #tpu.memory_space<hbm>>
          tpu.enqueue_dma source(%dma_start3A_354 : memref<1x3584xf32, #tpu.memory_space<hbm>>) target(%dma_start3A_352 : memref<1x3584xf32, #tpu.memory_space<vmem_shared>>) target_semaphore(%arg7 : memref<!tpu.dma_semaphore, #tpu.memory_space<semaphore_mem>>)
        } else {
        }
        %dma_wait3A_184 = arith.constant 1 : i32
        %dma_wait3A_185 = arith.constant 0 : i32
        %dma_wait3A_186 = arith.constant 0 : i32
        %dma_wait3A_187 = tpu.memref_slice %arg6[%arg1, %dma_wait3A_184, %dma_wait3A_185, %dma_wait3A_186] : memref<16x2x16x3584xf32, #tpu.memory_space<vmem_shared>> -> memref<1x1x16x3584xf32, #tpu.memory_space<vmem_shared>>
        %dma_wait3A_188 = tpu.memref_squeeze %dma_wait3A_187 : memref<1x1x16x3584xf32, #tpu.memory_space<vmem_shared>> -> memref<16x3584xf32, #tpu.memory_space<vmem_shared>>
        %dma_wait3A_189 = arith.constant 0 : i32
        %dma_wait3A_190 = arith.constant 0 : i32
        %dma_wait3A_191 = tpu.memref_slice %arg2[%dma_wait3A_189, %dma_wait3A_190] : memref<152064x3584xf32, #tpu.memory_space<hbm>> -> memref<16x3584xf32, #tpu.memory_space<hbm>>
        tpu.wait_dma2 semaphore(%arg8 : memref<!tpu.dma_semaphore, #tpu.memory_space<semaphore_mem>>) src(%dma_wait3A_191 : memref<16x3584xf32, #tpu.memory_space<hbm>>) dst(%dma_wait3A_188 : memref<16x3584xf32, #tpu.memory_space<vmem_shared>>)
        %mul3A_192 = arith.constant 16 : i32
        %mul3A_193 = arith.muli %scan3A_165, %mul3A_192 : i32
        %add3A_194 = arith.addi %mul3A_2, %mul3A_193 : i32
        %dma_start3A_195 = arith.constant 1 : i32
        %dma_start3A_196 = arith.constant 0 : i32
        %dma_start3A_197 = tpu.memref_slice %arg4[%add3A_194, %dma_start3A_196] : memref<32768x3584xf32, #tpu.memory_space<hbm>> -> memref<16x3584xf32, #tpu.memory_space<hbm>>
        %dma_start3A_198 = arith.constant 0 : i32
        %dma_start3A_199 = arith.constant 0 : i32
        %dma_start3A_200 = tpu.memref_slice %arg6[%arg1, %dma_start3A_195, %dma_start3A_198, %dma_start3A_199] : memref<16x2x16x3584xf32, #tpu.memory_space<vmem_shared>> -> memref<1x1x16x3584xf32, #tpu.memory_space<vmem_shared>>
        %dma_start3A_201 = tpu.memref_squeeze %dma_start3A_200 : memref<1x1x16x3584xf32, #tpu.memory_space<vmem_shared>> -> memref<16x3584xf32, #tpu.memory_space<vmem_shared>>
        tpu.enqueue_dma source(%dma_start3A_201 : memref<16x3584xf32, #tpu.memory_space<vmem_shared>>) target(%dma_start3A_197 : memref<16x3584xf32, #tpu.memory_space<hbm>>) target_semaphore(%arg10 : memref<!tpu.dma_semaphore, #tpu.memory_space<semaphore_mem>>)
      } else {
      }
      %scan3A_179 = arith.constant 0 : i32
      scf.yield %scan3A_179 : i32
    }
    %scan3A_151 = arith.constant 64 : i32
    %dma_wait3A = arith.constant 0 : i32
    %dma_wait3A_152 = arith.constant 0 : i32
    %dma_wait3A_153 = tpu.memref_slice %arg4[%mul3A_2, %dma_wait3A_152] : memref<32768x3584xf32, #tpu.memory_space<hbm>> -> memref<16x3584xf32, #tpu.memory_space<hbm>>
    %dma_wait3A_154 = arith.constant 0 : i32
    %dma_wait3A_155 = arith.constant 0 : i32
    %dma_wait3A_156 = tpu.memref_slice %arg6[%arg1, %dma_wait3A, %dma_wait3A_154, %dma_wait3A_155] : memref<16x2x16x3584xf32, #tpu.memory_space<vmem_shared>> -> memref<1x1x16x3584xf32, #tpu.memory_space<vmem_shared>>
    %dma_wait3A_157 = tpu.memref_squeeze %dma_wait3A_156 : memref<1x1x16x3584xf32, #tpu.memory_space<vmem_shared>> -> memref<16x3584xf32, #tpu.memory_space<vmem_shared>>
    tpu.wait_dma2 semaphore(%arg9 : memref<!tpu.dma_semaphore, #tpu.memory_space<semaphore_mem>>) src(%dma_wait3A_157 : memref<16x3584xf32, #tpu.memory_space<vmem_shared>>) dst(%dma_wait3A_153 : memref<16x3584xf32, #tpu.memory_space<hbm>>)
    %dma_wait3A_158 = arith.constant 1 : i32
    %dma_wait3A_159 = arith.constant 0 : i32
    %dma_wait3A_160 = tpu.memref_slice %arg4[%mul3A_2, %dma_wait3A_159] : memref<32768x3584xf32, #tpu.memory_space<hbm>> -> memref<16x3584xf32, #tpu.memory_space<hbm>>
    %dma_wait3A_161 = arith.constant 0 : i32
    %dma_wait3A_162 = arith.constant 0 : i32
    %dma_wait3A_163 = tpu.memref_slice %arg6[%arg1, %dma_wait3A_158, %dma_wait3A_161, %dma_wait3A_162] : memref<16x2x16x3584xf32, #tpu.memory_space<vmem_shared>> -> memref<1x1x16x3584xf32, #tpu.memory_space<vmem_shared>>
    %dma_wait3A_164 = tpu.memref_squeeze %dma_wait3A_163 : memref<1x1x16x3584xf32, #tpu.memory_space<vmem_shared>> -> memref<16x3584xf32, #tpu.memory_space<vmem_shared>>
    tpu.wait_dma2 semaphore(%arg10 : memref<!tpu.dma_semaphore, #tpu.memory_space<semaphore_mem>>) src(%dma_wait3A_164 : memref<16x3584xf32, #tpu.memory_space<vmem_shared>>) dst(%dma_wait3A_160 : memref<16x3584xf32, #tpu.memory_space<hbm>>)
    return
  }
}

</mosaic_0001>

<sc_bundles>
// kernel: kernel.3.cloned.1.call-start
scs
__scs_entry_jumppad:
0x0: {  	(pc) =	sbr.rel $0x88, $3  }
0x1: {  	(tag) =	ssettag $0x0;
	lr =	simm.s32 $0x1  }
0x2: {  	[smem:$0x3F9F] =	sst lr;
	_ =	strace $0xD0000000  }
0x3: {  	_ = 	snop  }
0x4: {  	_ = 	snop  }
0x5: {  	_ = 	snop  }
0x6: {  	_ = 	snop  }
0x7: {  	_ = 	snop  }
__scs_overlays_trampoline_lowered:
0x8: {  	[smem:$0x3FAE] =	sst s0  }
0x9: {  	[smem:$0x3FAF] =	sst s1  }
0xa: {  	[smem:$0x3FB0] =	sst s2  }
0xb: {  	[smem:$0x3FB1] =	sst s3  }
0xc: {  	[smem:$0x3FB2] =	sst s4  }
0xd: {  	[smem:$0x3FB3] =	sst s5  }
0xe: {  	[smem:$0x3FB4] =	sst s6  }
0xf: {  	[smem:$0x3FB5] =	sst s7  }
0x10: {  	[smem:$0x3FB6] =	sst s8  }
0x11: {  	[smem:$0x3FB7] =	sst s9;
	s0 =	simm.s32 @!p0 $0x0  }
0x12: {  	s1 =	sld [smem:$0x3F9D];
	s0 =	simm.s32 @p0 $0x1  }
0x13: {  	[smem:$0x3FB8] =	sst s0;
	s0 =	simm.s32 @!p1 $0x0  }
0x14: {  	s2 =	sld [smem:$0x3F9C];
	s0 =	simm.s32 @p1 $0x1  }
0x15: {  	[smem:$0x3FB9] =	sst s0;
	s0 =	simm.s32 @!p2 $0x0  }
0x16: {  	s3 =	sld [smem:$0x3FDB];
	s0 =	simm.s32 @p2 $0x1  }
0x17: {  	s4 =	simm.s32 $0x1BF5;
	[smem:$0x3FBB] =	sst s0  }
0x18: {  	s0 =	sld [smem:$0x3F9E];
	_ =	swait.ge [sflag:s4], $0x0  }
0x19: {  	s7 =	sld [smem:$0x3F9F]  }
0x1a: {  	s8 =	sadd.s32 $0xFFFFE003, lr  }
0x1b: {  	s9 =	sadd.s32 $0xFFFFFEF7, lr;
	s5 =	simm.s32 $0xFFFFFFFF;
	p2 =	slt.u32 s8, $0xFFFFF086  }
0x1c: {  	p1 =	slt.u32 s9, $0xF7A;
	s5 =	simm.s32 @!p2 $0x0  }
0x1d: {  	s5 =	simm.s32 @p1 $0x1;
	p0 =	seq.s32 s7, s2  }
0x1e: {  	s7 =	smul.u32 @!p0 $0xF7A, s2;
	p2 =	seq.s32 @!p0 s5, $0x0  }
0x1f: {  	s9 =	smul.u32 $0xF7A, s1;
	s8 =	simm.s32 @!p0 $0x1BF5;
	p2 =	por !p2, p0  }
0x20: {  	[sflag:s8] =	ssyncset.s32 @!p0 $0xFFFFF086;
	s6 =	sadd.s32 @!p0 s3, s7;
	s7 =	simm.s32 @!p0 $0x108  }
0x21: {  	s3 =	sadd.s32 s3, s9;
	s6 =	sadd.s32 @!p0 $0x88, s6;
	s7 =	simm.s32 @p2 $0x1082  }
0x22: {  	[simem:s7], [sflag:s8] =	dma.local @!p0 [hbm:s6], $0xF7A  }
0x23: {  	s9 =	sor.u32 $0xD0000000, s2;
	s6 =	simm.s32 $0x108;
	_ =	swait.ge @!p0 [sflag:s8], $0x0  }
0x24: {  	s3 =	sadd.s32 $0x88, s3;
	s6 =	simm.s32 @!p1 $0x1082;
	[sflag:s4] =	ssyncset.s32 $0xFFFFF086  }
0x25: {  	[simem:s6], [sflag:s4] =	dma.local [hbm:s3], $0xF7A  }
0x26: {  	[smem:$0x3F9F] =	sst s1;
	(tag) =	ssettag s2;
	_ =	strace s9  }
0x27: {  	s1 =	sld [smem:$0x3FAF]  }
0x28: {  	s2 =	sld [smem:$0x3FB0]  }
0x29: {  	s4 =	sld [smem:$0x3FB2]  }
0x2a: {  	p0 =	seq.s32 s5, $0x0;
	s5 =	sld [smem:$0x3FB3]  }
0x2b: {  	s6 =	sld [smem:$0x3FB4]  }
0x2c: {  	s7 =	sld [smem:$0x3FB5]  }
0x2d: {  	s3 =	simm.s32 $0x108;
	s8 =	sld [smem:$0x3FB6]  }
0x2e: {  	s3 =	simm.s32 @!p0 $0x1082;
	s9 =	sld [smem:$0x3FB7]  }
0x2f: {  	lr =	sadd.s32 s0, s3;
	s0 =	sld [smem:$0x3FAE]  }
0x30: {  	s3 =	sld [smem:$0x3FB1]  }
0x31: {  	[smem:$0x3FBA] =	sst s10  }
0x32: {  	s10 =	sld [smem:$0x3FB8];
	_ =	sdelay $0x3  }
0x33: {  	p0 =	seq.s32 s10, $0x1;
	s10 =	sld [smem:$0x3FBA];
	_ =	sdelay $0x3  }
0x34: {  	[smem:$0x3FBA] =	sst s10  }
0x35: {  	s10 =	sld [smem:$0x3FB9];
	_ =	sdelay $0x3  }
0x36: {  	p1 =	seq.s32 s10, $0x1;
	s10 =	sld [smem:$0x3FBA];
	_ =	sdelay $0x3  }
0x37: {  	[smem:$0x3FBA] =	sst s10  }
0x38: {  	s10 =	sld [smem:$0x3FBB]  }
0x39: {  	_ = 	snop;
	(pc) =	sbr.ind lr, $3  }
0x3a: {  	_ = 	snop  }
0x3b: {  	_ = 	snop  }
0x3c: {  	p2 =	seq.s32 s10, $0x1;
	s10 =	sld [smem:$0x3FBA]  }
0x3d: {  	_ =	shalt  }
0x3e: {  	_ =	shalt  }
0x3f: {  	_ =	shalt  }
0x40: {  	_ =	shalt  }
0x41: {  	_ =	shalt  }
0x42: {  	_ =	shalt  }
0x43: {  	_ =	shalt  }
0x44: {  	_ =	shalt  }
0x45: {  	_ =	shalt  }
0x46: {  	_ =	shalt  }
0x47: {  	_ =	shalt  }
0x48: {  	_ =	shalt  }
0x49: {  	_ =	shalt  }
0x4a: {  	_ =	shalt  }
0x4b: {  	_ =	shalt  }
0x4c: {  	_ =	shalt  }
0x4d: {  	_ =	shalt  }
0x4e: {  	_ =	shalt  }
0x4f: {  	_ =	shalt  }
0x50: {  	_ =	shalt  }
0x51: {  	_ =	shalt  }
0x52: {  	_ =	shalt  }
0x53: {  	_ =	shalt  }
0x54: {  	_ =	shalt  }
0x55: {  	_ =	shalt  }
0x56: {  	_ =	shalt  }
0x57: {  	_ =	shalt  }
0x58: {  	_ =	shalt  }
0x59: {  	_ =	shalt  }
0x5a: {  	_ =	shalt  }
0x5b: {  	_ =	shalt  }
0x5c: {  	_ =	shalt  }
0x5d: {  	_ =	shalt  }
0x5e: {  	_ =	shalt  }
0x5f: {  	_ =	shalt  }
0x60: {  	_ =	shalt  }
0x61: {  	_ =	shalt  }
0x62: {  	_ =	shalt  }
0x63: {  	_ =	shalt  }
0x64: {  	_ =	shalt  }
0x65: {  	_ =	shalt  }
0x66: {  	_ =	shalt  }
0x67: {  	_ =	shalt  }
0x68: {  	_ =	shalt  }
0x69: {  	_ =	shalt  }
0x6a: {  	_ =	shalt  }
0x6b: {  	_ =	shalt  }
0x6c: {  	_ =	shalt  }
0x6d: {  	_ =	shalt  }
0x6e: {  	_ =	shalt  }
0x6f: {  	_ =	shalt  }
0x70: {  	_ =	shalt  }
0x71: {  	_ =	shalt  }
0x72: {  	_ =	shalt  }
0x73: {  	_ =	shalt  }
0x74: {  	_ =	shalt  }
0x75: {  	_ =	shalt  }
0x76: {  	_ =	shalt  }
0x77: {  	_ =	shalt  }
0x78: {  	_ =	shalt  }
0x79: {  	_ =	shalt  }
0x7a: {  	_ =	shalt  }
0x7b: {  	_ =	shalt  }
0x7c: {  	_ =	shalt  }
0x7d: {  	_ =	shalt  }
0x7e: {  	_ =	shalt  }
0x7f: {  	_ =	shalt  }
0x80: {  	_ =	shalt  }
0x81: {  	_ =	shalt  }
0x82: {  	_ =	shalt  }
0x83: {  	_ =	shalt  }
0x84: {  	_ =	shalt  }
0x85: {  	_ =	shalt  }
0x86: {  	_ =	shalt  }
0x87: {  	_ =	shalt  }
.Lfunc_end0:
.L_simem_size_0:
called_computation_lowered:
.L_overlay_start_0:
0x88: {  	s2 =	sld [smem:$0x3FD9]  }
0x89: {  	s3 =	sld [smem:$0x3FFE];
	_ =	sdelay $0x1  }
0x8a: {  	s1 =	srdreg.scid  }
0x8b: {  	s0 =	sand.u32 $0x1, s1  }
0x8c: {  	s17 =	sshll.u32 s0, $0xA;
	s2 =	sadd.s32 s3, s2  }
0x8d: {  	s2 =	sadd.s32 s2, s17  }
0x8e: {  	[smem:$0x3FC6] =	sst s2  }
0x8f: {  	_ = 	snop  }
0x90: {  	s2 =	sld [smem:$0x3FC8]  }
0x91: {  	s18 =	sld [smem:$0x3FD0];
	(tm) =	ssettm $0x1  }
0x92: {  	s4 =	sld [smem:$0x3FFB];
	_ =	sdelay $0x3  }
0x93: {  	_ =	strace s4  }
0x94: {  	s4 =	sld [smem:$0x3FFC];
	_ =	sdelay $0x3  }
0x95: {  	_ =	strace s4  }
0x96: {  	s4 =	sld [smem:$0x3FFD];
	_ =	sdelay $0x3  }
0x97: {  	_ =	strace s4  }
0x98: {  	_ =	strace $0x8FFFFFFF  }
0x99: {  	s19 =	sld [smem:$0x3FDB];
	_ =	sdelay $0x1  }
0x9a: {  	s5 =	simm.s32 $_scs_section_size  }
0x9b: {  	s6 =	simm.s32 $_size__tile_overlayer_lowered;
	s7 =	simm.s32 $_tile_overlayer_lowered  }
0x9c: {  	s22 =	simm.s32 $0x1BFF;
	s21 =	sshll.u32 s7, $0x1;
	s4 =	sadd.s32 s5, s19  }
0x9d: {  	s8 =	simm.s32 $0x0;
	s20 =	sshll.u32 s6, $0x1;
	s6 =	sadd.s32 s21, s4  }
0x9e: {  	[timem:s8], [sflag:s22] =	dma.local [hbm:s6], s20  }
0x9f: {  	_ =	swait.ge [sflag:s22], s20  }
0xa0: {  	s5 =	ssub.s32 $0x0, s20;
	[sflag:s22] =	ssyncset.done $0x0  }
0xa1: {  	[sflag:s22] =	ssyncadd.s32 s5;
	_ =	sdelay $0x1  }
0xa2: {  	s23 =	simm.s32 $0x1B8B  }
0xa3: {  	_ =	swait.ge [sflag:s23], $0x1  }
0xa4: {  	[sflag:s23] =	ssyncset.done $0x0  }
0xa5: {  	s25 =	simm.s32 $0x1B8E;
	s24 =	sld [smem:$0x3FFE];
	[sflag:s23] =	ssyncadd.s32 $0xFFFFFFFF  }
0xa6: {  	s26 =	simm.s32 $execute0_lowered;
	[smem:$0x3FD2] =	sst s25  }
0xa7: {  	s6 =	sshll.u32 s26, $0x1;
	_ =	strace $0x80000046;
	[dreg:$0x1] =	wrdreg $0xFFFFFFFF  }
0xa8: {  	s28 =	simm.s32 $_size_execute0_lowered;
	s4 =	sadd.s32 s4, s6;
	[dreg:$0x0] =	wrdreg $0x0  }
0xa9: {  	s6 =	sshll.u32 s28, $0x1;
	[dreg:$0x2] =	wrdreg s4  }
0xaa: {  	[dreg:$0x3] =	wrdreg s6  }
0xab: {  	[dreg:$0x4] =	wrdreg $0xC0  }
0xac: {  	_ =	task [dreg:s8], $0x5FFFF  }
0xad: {  	[dreg:$0x1] =	wrdreg $0xFFFFFFFF  }
0xae: {  	[dreg:$0x0] =	wrdreg $0x60  }
0xaf: {  	[dreg:$0x2] =	wrdreg s2  }
0xb0: {  	[dreg:$0x3] =	wrdreg s24  }
0xb1: {  	[dreg:$0x4] =	wrdreg s18  }
0xb2: {  	[dreg:$0x5] =	wrdreg $0x4000  }
0xb3: {  	[dreg:$0x6] =	wrdreg $0x9  }
0xb4: {  	_ =	task.clear_ibuf [dreg:s8], $0x7FFFF;
	_ =	strace $0x90000046  }
0xb5: {  	s29 =	simm.s32 $0x9;
	_ =	strace $0x80000048  }
0xb6: {  	_ =	swait.ge [sflag:s29], $0x1  }
0xb7: {  	[sflag:s29] =	ssyncadd.s32 $0xFFFFFFFF  }
0xb8: {  	_ =	strace $0x90000048  }
0xb9: {  	_ =	sfence  }
0xba: {  	s30 =	sld [smem:$0x0];
	_ =	sdelay $0x2  }
0xbb: {  	s31 =	sshll.u32 s1, $0xD;
	s1 =	sshrl.u32 s1, $0x2  }
0xbc: {  	s3 =	sand.u32 $0x4000, s31;
	s1 =	sadd.s32 s1, s30  }
0xbd: {  	s0 =	sor.u32 s3, s0;
	s1 =	sshll.u32 s1, $0x11  }
0xbe: {  	s0 =	sor.u32 s1, s0  }
0xbf: {  	s0 =	sadd.s32 $0x8F2B, s0  }
0xc0: {  	[sflag:s0] =	ssyncadd.remote.s32 $0x1  }
0xc1: {  	_ =	sfence.sel $0xFFFF  }
0xc2: {  	[dreg:$0x0] =	wrdreg $0xFFFFFFFF;
	(pc) =	sbr.abs _section_cstart, $3  }
0xc3: {  	[dreg:$0x1] =	wrdreg $0xFFFFFFFF  }
0xc4: {  	_ =	task.clear_ibuf [dreg:s8], $0x2FFFF;
	_ =	strace $0x9FFFFFFF  }
0xc5: {  	(tm) =	ssettm $0x7FFFFFFF  }
tec
execute0_lowered:
.L_overlay_start_1:
0x0: {  	(tag) =	ssettag $0x1  }
0x1: {  	s1 =	rddreg [dreg:$0x0];
	s7 =	stileid.u32  }
0x2: {  	s0 =	rddreg [dreg:$0x1];
	s16 =	sshll.u32 s7, $0xB;
	s7 =	smul.u32 $0x70000, s7  }
0x3: {  	s3 =	rddreg [dreg:$0x3];
	s5 =	simm.s32 $0x0;
	s4 =	srdreg.scid  }
0x4: {  	[smem:$0x7FF] =	sst s5;
	s4 =	sand.u32 $0x1, s4;
	s18 =	sshrl.u32 s7, $0x2  }
0x5: {  	s6 =	sshll.u32 s4, $0xA;
	s17 =	ssub.s32 $0x2, s4;
	s4 =	sadd.s32 s18, s3  }
0x6: {  	s2 =	rddreg [dreg:$0x2];
	_ =	strace $0x80000047;
	s21 =	sadd.s32 $0x80, s4  }
0x7: {  	s19 =	sshrl.u32 s17, $0x1;
	s22 =	sadd.s32 $0x100, s4;
	[dreg:$0x6] =	wrdreg s21  }
0x8: {  	s20 =	ssub.s32 s17, s19;
	s23 =	sadd.s32 $0x180, s4;
	[dreg:$0x7] =	wrdreg s22  }
0x9: {  	s5 =	sor.u32 s6, s16;
	s3 =	smax.u32 s20, $0x1;
	[dreg:$0x8] =	wrdreg s23  }
0xa: {  	s5 =	sshrl.u32 s5, $0x3;
	s19 =	sadd.s32 $0x300, s4;
	[dreg:$0xa] =	wrdreg s3  }
0xb: {  	s0 =	sadd.s32 s5, s0;
	s20 =	sadd.s32 $0x380, s4;
	[dreg:$0x1c] =	wrdreg s19  }
0xc: {  	s25 =	sadd.s32 $0xE100, s4;
	s0 =	sadd.s32 $0x400, s0;
	[dreg:$0x1d] =	wrdreg s20  }
0xd: {  	s26 =	sadd.s32 $0xE180, s4;
	s31 =	sshrl.u32 s25, $0x3;
	[dreg:$0x5] =	wrdreg s0  }
0xe: {  	s9 =	sadd.s32 $0xE280, s4;
	s3 =	sshrl.u32 s26, $0x3;
	[dreg:$0xc] =	wrdreg s31  }
0xf: {  	s10 =	sadd.s32 $0xE300, s4;
	s6 =	sshrl.u32 s9, $0x3;
	[dreg:$0xd] =	wrdreg s3  }
0x10: {  	s12 =	sadd.s32 $0x15000, s4;
	s7 =	sshrl.u32 s10, $0x3;
	[dreg:$0xf] =	wrdreg s6  }
0x11: {  	s13 =	sadd.s32 $0x15080, s4;
	s9 =	sshrl.u32 s12, $0x3;
	[dreg:$0x10] =	wrdreg s7  }
0x12: {  	s15 =	sadd.s32 $0x15180, s4;
	s10 =	sshrl.u32 s13, $0x3;
	[dreg:$0x12] =	wrdreg s9  }
0x13: {  	s16 =	sadd.s32 $0x15200, s4;
	s12 =	sshrl.u32 s15, $0x3;
	[dreg:$0x13] =	wrdreg s10  }
0x14: {  	s18 =	sadd.s32 $0x15300, s4;
	s13 =	sshrl.u32 s16, $0x3;
	[dreg:$0x15] =	wrdreg s12  }
0x15: {  	s30 =	sadd.s32 $0x15380, s4;
	s15 =	sshrl.u32 s18, $0x3;
	[dreg:$0x16] =	wrdreg s13  }
0x16: {  	s16 =	sshrl.u32 s30, $0x3;
	[dreg:$0x18] =	wrdreg s15  }
0x17: {  	s18 =	sadd.s32 $0x280, s4;
	[dreg:$0x19] =	wrdreg s16  }
0x18: {  	s21 =	sadd.s32 $0x7000, s4;
	[dreg:$0x1b] =	wrdreg s18  }
0x19: {  	s22 =	sadd.s32 $0x7080, s4;
	[dreg:$0x1e] =	wrdreg s21  }
0x1a: {  	s23 =	sadd.s32 $0x7100, s4;
	[dreg:$0x1f] =	wrdreg s22  }
0x1b: {  	s25 =	sadd.s32 $0x7200, s4;
	[smem:$0x7F8] =	sst s23  }
0x1c: {  	s5 =	smul.u32 $0xE00, s5;
	s26 =	sadd.s32 $0x7280, s4;
	[smem:$0x7FA] =	sst s25  }
0x1d: {  	s30 =	sadd.s32 $0x7300, s4;
	[smem:$0x7FB] =	sst s26  }
0x1e: {  	s24 =	sadd.s32 $0xE080, s4;
	s2 =	sadd.s32 s5, s2;
	[smem:$0x7FC] =	sst s30  }
0x1f: {  	s8 =	sadd.s32 $0xE200, s4;
	s0 =	sshrl.u32 s24, $0x3;
	[dreg:$0x9] =	wrdreg s2  }
0x20: {  	s11 =	sadd.s32 $0xE380, s4;
	s5 =	sshrl.u32 s8, $0x3;
	[dreg:$0xb] =	wrdreg s0  }
0x21: {  	s14 =	sadd.s32 $0x15100, s4;
	s8 =	sshrl.u32 s11, $0x3;
	[dreg:$0xe] =	wrdreg s5  }
0x22: {  	s17 =	sadd.s32 $0x15280, s4;
	s11 =	sshrl.u32 s14, $0x3;
	[dreg:$0x11] =	wrdreg s8  }
.Ltmp0:
0x23: {  	s14 =	sshrl.u32 s17, $0x3;
	[dreg:$0x14] =	wrdreg s11;
	(pc) =	sbr.rel .LBB2_1-.Ltmp0, $4  }
0x24: {  	s28 =	simm.s32 $0x80;
	s17 =	sadd.s32 $0x200, s4;
	[dreg:$0x17] =	wrdreg s14  }
0x25: {  	s29 =	simm.s32 $0x3;
	s24 =	sadd.s32 $0x7180, s4;
	[dreg:$0x1a] =	wrdreg s17  }
0x26: {  	s31 =	sadd.s32 $0x7380, s4;
	s10 =	sadd.s32 $0xE000, s4;
	[smem:$0x7F9] =	sst s24  }
0x27: {  	s26 =	simm.s32 $0x1;
	s3 =	simm.s32 $0x0;
	[smem:$0x7FD] =	sst s31  }
.LBB2_12:
0x28: {  	_ =	swait.ge [sflag:s29], $0x1C00  }
0x29: {  	[sflag:s29] =	ssyncset.done $0x0  }
0x2a: {  	s2 =	simm.s32 $0x4;
	[sflag:s29] =	ssyncadd.s32 $0xFFFFE400  }
0x2b: {  	_ =	swait.ge [sflag:s2], $0x1C00  }
0x2c: {  	s3 =	sld [smem:$0x7F6];
	_ =	sdelay $0x2  }
0x2d: {  	s0 =	rddreg [dreg:$0xa];
	s3 =	sadd.s32 $0x1, s3  }
0x2e: {  	p0 =	sne.s32 s3, s0  }
.Ltmp1:
0x2f: {  	_ = 	snop;
	(pc) =	sbr.rel @!p0 .LBB2_13-.Ltmp1, $3  }
0x30: {  	_ =	sdelay $0x1  }
0x31: {  	[sflag:s2] =	ssyncset.done $0x0  }
0x32: {  	[sflag:s2] =	ssyncadd.s32 $0xFFFFE400  }
.LBB2_1:
0x33: {  	[smem:$0x7F6] =	sst s3  }
0x34: {  	s0 =	simm.s32 $0x0;
	s2 =	rddreg [dreg:$0x5];
	s24 =	simm.s32 $0x5  }
0x35: {  	[tilespmem:s0], [sflag:$0x5] =	stream.linear.gather [hbm4b:s2+s0], $0x400, $0x38;
	[tilespmem:$0x1C400] =	vst v63  }
0x36: {  	_ =	swait.ge [sflag:s24], $0x400  }
0x37: {  	[sflag:s24] =	ssyncset.done $0x0  }
0x38: {  	[sflag:s24] =	ssyncadd.s32 $0xFFFFFC00  }
0x39: {  	v0 =	vld [tilespmem:$0x0];
	_ =	sdelay $0x4  }
0x3a: {  	(v2sf) =	vpush v0, $0x0;
	_ =	sdelay $0xe  }
0x3b: {  	s25 =	spop (v2sf)  }
0x3c: {  	s3 =	sshrl.u32 s25, $0x3  }
0x3d: {  	s0 =	sshll.u32 s25, $0x7;
	s2 =	smul.u32 $0x7000, s3  }
0x3e: {  	s0 =	sand.u32 $0x380, s0  }
0x3f: {  	s5 =	stileid.u32;
	s0 =	sor.u32 s0, s2  }
0x40: {  	s6 =	sshrl.u32 s4, $0x3;
	s2 =	sshrl.u32 s0, $0x3;
	s0 =	sshll.u32 s5, $0x6  }
0x41: {  	[smem:$0x7F7] =	sst s6;
	s5 =	sadd.s32 s1, s2;
	s3 =	sor.u32 $0x1C01, s0  }
0x42: {  	[spmem:s6@s28], [sflag:s3] =	dma.strided [hbm:s5@s28], $0x1C0, s26, $0x10   }
0x43: {  	(v2sf) =	vpush v0, $0x1;
	_ =	sdelay $0xe  }
0x44: {  	s5 =	spop (v2sf)  }
0x45: {  	s6 =	sshrl.u32 s5, $0x3  }
0x46: {  	s5 =	sshll.u32 s5, $0x7;
	s6 =	smul.u32 $0x7000, s6  }
0x47: {  	s5 =	sand.u32 $0x380, s5  }
0x48: {  	s5 =	sor.u32 s5, s6  }
0x49: {  	s2 =	rddreg [dreg:$0x6];
	s5 =	sshrl.u32 s5, $0x3  }
0x4a: {  	s7 =	sadd.s32 s1, s5;
	s5 =	sshrl.u32 s2, $0x3  }
0x4b: {  	[spmem:s5@s28], [sflag:s3] =	dma.strided [hbm:s7@s28], $0x1C0, s26, $0x10   }
0x4c: {  	(v2sf) =	vpush v0, $0x2;
	_ =	sdelay $0xe  }
0x4d: {  	s6 =	spop (v2sf)  }
0x4e: {  	s7 =	sshrl.u32 s6, $0x3  }
0x4f: {  	s6 =	sshll.u32 s6, $0x7;
	s7 =	smul.u32 $0x7000, s7  }
0x50: {  	s6 =	sand.u32 $0x380, s6  }
0x51: {  	s6 =	sor.u32 s6, s7  }
0x52: {  	s9 =	rddreg [dreg:$0x7];
	s6 =	sshrl.u32 s6, $0x3  }
0x53: {  	s8 =	sadd.s32 s1, s6;
	s6 =	sshrl.u32 s9, $0x3  }
0x54: {  	[spmem:s6@s28], [sflag:s3] =	dma.strided [hbm:s8@s28], $0x1C0, s26, $0x10   }
0x55: {  	(v2sf) =	vpush v0, $0x3;
	_ =	sdelay $0xe  }
0x56: {  	s7 =	spop (v2sf)  }
0x57: {  	s8 =	sshrl.u32 s7, $0x3  }
0x58: {  	s7 =	sshll.u32 s7, $0x7;
	s8 =	smul.u32 $0x7000, s8  }
0x59: {  	s7 =	sand.u32 $0x380, s7  }
0x5a: {  	s7 =	sor.u32 s7, s8  }
0x5b: {  	s12 =	rddreg [dreg:$0x8];
	s7 =	sshrl.u32 s7, $0x3  }
0x5c: {  	s11 =	sadd.s32 s1, s7;
	s7 =	sshrl.u32 s12, $0x3  }
0x5d: {  	[spmem:s7@s28], [sflag:s3] =	dma.strided [hbm:s11@s28], $0x1C0, s26, $0x10   }
0x5e: {  	(v2sf) =	vpush v0, $0x4;
	_ =	sdelay $0xe  }
0x5f: {  	s8 =	spop (v2sf)  }
0x60: {  	s9 =	sshrl.u32 s8, $0x3  }
0x61: {  	s8 =	sshll.u32 s8, $0x7;
	s9 =	smul.u32 $0x7000, s9  }
0x62: {  	s8 =	sand.u32 $0x380, s8  }
0x63: {  	s8 =	sor.u32 s8, s9  }
0x64: {  	s14 =	rddreg [dreg:$0x1a];
	s8 =	sshrl.u32 s8, $0x3  }
0x65: {  	s13 =	sadd.s32 s1, s8;
	s8 =	sshrl.u32 s14, $0x3  }
0x66: {  	[spmem:s8@s28], [sflag:s3] =	dma.strided [hbm:s13@s28], $0x1C0, s26, $0x10   }
0x67: {  	(v2sf) =	vpush v0, $0x5;
	_ =	sdelay $0xe  }
0x68: {  	s9 =	spop (v2sf)  }
0x69: {  	s11 =	sshrl.u32 s9, $0x3  }
0x6a: {  	s9 =	sshll.u32 s9, $0x7;
	s11 =	smul.u32 $0x7000, s11  }
0x6b: {  	s9 =	sand.u32 $0x380, s9  }
0x6c: {  	s9 =	sor.u32 s9, s11  }
0x6d: {  	s16 =	rddreg [dreg:$0x1b];
	s9 =	sshrl.u32 s9, $0x3  }
0x6e: {  	s15 =	sadd.s32 s1, s9;
	s9 =	sshrl.u32 s16, $0x3  }
0x6f: {  	[spmem:s9@s28], [sflag:s3] =	dma.strided [hbm:s15@s28], $0x1C0, s26, $0x10   }
0x70: {  	(v2sf) =	vpush v0, $0x6;
	_ =	sdelay $0xe  }
0x71: {  	s11 =	spop (v2sf)  }
0x72: {  	s12 =	sshrl.u32 s11, $0x3  }
0x73: {  	s11 =	sshll.u32 s11, $0x7;
	s12 =	smul.u32 $0x7000, s12  }
0x74: {  	s11 =	sand.u32 $0x380, s11  }
0x75: {  	s11 =	sor.u32 s11, s12  }
0x76: {  	s17 =	rddreg [dreg:$0x1c];
	s11 =	sshrl.u32 s11, $0x3  }
0x77: {  	s31 =	sshrl.u32 s17, $0x3;
	s11 =	sadd.s32 s1, s11  }
0x78: {  	[spmem:s31@s28], [sflag:s3] =	dma.strided [hbm:s11@s28], $0x1C0, s26, $0x10   }
0x79: {  	(v2sf) =	vpush v0, $0x7;
	_ =	sdelay $0xe  }
0x7a: {  	s11 =	spop (v2sf)  }
0x7b: {  	s18 =	sshrl.u32 s11, $0x3  }
0x7c: {  	s11 =	sshll.u32 s11, $0x7;
	s12 =	smul.u32 $0x7000, s18  }
0x7d: {  	s11 =	sand.u32 $0x380, s11  }
0x7e: {  	s11 =	sor.u32 s11, s12  }
0x7f: {  	s19 =	rddreg [dreg:$0x1d];
	s11 =	sshrl.u32 s11, $0x3  }
0x80: {  	s30 =	sshrl.u32 s19, $0x3;
	s11 =	sadd.s32 s1, s11  }
0x81: {  	[spmem:s30@s28], [sflag:s3] =	dma.strided [hbm:s11@s28], $0x1C0, s26, $0x10   }
0x82: {  	(v2sf) =	vpush v0, $0x8;
	_ =	sdelay $0xe  }
0x83: {  	s11 =	spop (v2sf)  }
0x84: {  	s20 =	sshrl.u32 s11, $0x3  }
0x85: {  	s11 =	sshll.u32 s11, $0x7;
	s12 =	smul.u32 $0x7000, s20  }
0x86: {  	s11 =	sand.u32 $0x380, s11  }
0x87: {  	s11 =	sor.u32 s11, s12  }
0x88: {  	s22 =	rddreg [dreg:$0x1e];
	s11 =	sshrl.u32 s11, $0x3  }
0x89: {  	s21 =	sadd.s32 s1, s11;
	s11 =	sshrl.u32 s22, $0x3  }
0x8a: {  	[spmem:s11@s28], [sflag:s3] =	dma.strided [hbm:s21@s28], $0x1C0, s26, $0x10   }
0x8b: {  	(v2sf) =	vpush v0, $0x9;
	_ =	sdelay $0xe  }
0x8c: {  	s12 =	spop (v2sf)  }
0x8d: {  	s13 =	sshrl.u32 s12, $0x3  }
0x8e: {  	s12 =	sshll.u32 s12, $0x7;
	s13 =	smul.u32 $0x7000, s13  }
0x8f: {  	s12 =	sand.u32 $0x380, s12  }
0x90: {  	s12 =	sor.u32 s12, s13  }
0x91: {  	s24 =	rddreg [dreg:$0x1f];
	s12 =	sshrl.u32 s12, $0x3  }
0x92: {  	s23 =	sadd.s32 s1, s12;
	s12 =	sshrl.u32 s24, $0x3  }
0x93: {  	[spmem:s12@s28], [sflag:s3] =	dma.strided [hbm:s23@s28], $0x1C0, s26, $0x10   }
0x94: {  	(v2sf) =	vpush v0, $0xA;
	_ =	sdelay $0xe  }
0x95: {  	s13 =	spop (v2sf)  }
0x96: {  	s14 =	sshrl.u32 s13, $0x3  }
0x97: {  	s13 =	sshll.u32 s13, $0x7;
	s14 =	smul.u32 $0x7000, s14  }
0x98: {  	s15 =	sld [smem:$0x7F8];
	s13 =	sand.u32 $0x380, s13  }
0x99: {  	s13 =	sor.u32 s13, s14  }
0x9a: {  	s13 =	sshrl.u32 s13, $0x3  }
0x9b: {  	s25 =	sadd.s32 s1, s13;
	s13 =	sshrl.u32 s15, $0x3  }
0x9c: {  	[spmem:s13@s28], [sflag:s3] =	dma.strided [hbm:s25@s28], $0x1C0, s26, $0x10   }
0x9d: {  	(v2sf) =	vpush v0, $0xB;
	_ =	sdelay $0xe  }
0x9e: {  	s14 =	spop (v2sf)  }
0x9f: {  	s15 =	sshrl.u32 s14, $0x3  }
0xa0: {  	s14 =	sshll.u32 s14, $0x7;
	s15 =	smul.u32 $0x7000, s15  }
0xa1: {  	s17 =	sld [smem:$0x7F9];
	s14 =	sand.u32 $0x380, s14  }
0xa2: {  	s14 =	sor.u32 s14, s15  }
0xa3: {  	s14 =	sshrl.u32 s14, $0x3  }
0xa4: {  	s16 =	sadd.s32 s1, s14;
	s14 =	sshrl.u32 s17, $0x3  }
0xa5: {  	[spmem:s14@s28], [sflag:s3] =	dma.strided [hbm:s16@s28], $0x1C0, s26, $0x10   }
0xa6: {  	(v2sf) =	vpush v0, $0xC;
	_ =	sdelay $0xe  }
0xa7: {  	s15 =	spop (v2sf)  }
0xa8: {  	s16 =	sshrl.u32 s15, $0x3  }
0xa9: {  	s15 =	sshll.u32 s15, $0x7;
	s16 =	smul.u32 $0x7000, s16  }
0xaa: {  	s19 =	sld [smem:$0x7FA];
	s15 =	sand.u32 $0x380, s15  }
0xab: {  	s15 =	sor.u32 s15, s16  }
0xac: {  	s15 =	sshrl.u32 s15, $0x3  }
0xad: {  	s18 =	sadd.s32 s1, s15;
	s15 =	sshrl.u32 s19, $0x3  }
0xae: {  	[spmem:s15@s28], [sflag:s3] =	dma.strided [hbm:s18@s28], $0x1C0, s26, $0x10   }
0xaf: {  	(v2sf) =	vpush v0, $0xD;
	_ =	sdelay $0xe  }
0xb0: {  	s16 =	spop (v2sf)  }
0xb1: {  	s17 =	sshrl.u32 s16, $0x3  }
0xb2: {  	s16 =	sshll.u32 s16, $0x7;
	s17 =	smul.u32 $0x7000, s17  }
0xb3: {  	s21 =	sld [smem:$0x7FB];
	s16 =	sand.u32 $0x380, s16  }
0xb4: {  	s16 =	sor.u32 s16, s17  }
0xb5: {  	s16 =	sshrl.u32 s16, $0x3  }
0xb6: {  	s20 =	sadd.s32 s1, s16;
	s16 =	sshrl.u32 s21, $0x3  }
0xb7: {  	[spmem:s16@s28], [sflag:s3] =	dma.strided [hbm:s20@s28], $0x1C0, s26, $0x10   }
0xb8: {  	(v2sf) =	vpush v0, $0xE;
	_ =	sdelay $0xe  }
0xb9: {  	s17 =	spop (v2sf)  }
0xba: {  	s18 =	sshrl.u32 s17, $0x3  }
0xbb: {  	s17 =	sshll.u32 s17, $0x7;
	s18 =	smul.u32 $0x7000, s18  }
0xbc: {  	s23 =	sld [smem:$0x7FC];
	s17 =	sand.u32 $0x380, s17  }
0xbd: {  	s17 =	sor.u32 s17, s18  }
0xbe: {  	s17 =	sshrl.u32 s17, $0x3  }
0xbf: {  	s22 =	sadd.s32 s1, s17;
	s17 =	sshrl.u32 s23, $0x3  }
0xc0: {  	[spmem:s17@s28], [sflag:s3] =	dma.strided [hbm:s22@s28], $0x1C0, s26, $0x10   }
0xc1: {  	(v2sf) =	vpush v0, $0xF;
	_ =	sdelay $0xe  }
0xc2: {  	s18 =	spop (v2sf)  }
0xc3: {  	s19 =	sshrl.u32 s18, $0x3  }
0xc4: {  	s18 =	sshll.u32 s18, $0x7;
	s19 =	smul.u32 $0x7000, s19  }
0xc5: {  	s25 =	sld [smem:$0x7FD];
	s18 =	sand.u32 $0x380, s18  }
.Ltmp2:
0xc6: {  	s18 =	sor.u32 s18, s19;
	(pc) =	sbr.rel .LBB2_2-.Ltmp2, $4  }
0xc7: {  	s18 =	sshrl.u32 s18, $0x3  }
0xc8: {  	s24 =	sadd.s32 s1, s18;
	s18 =	sshrl.u32 s25, $0x3  }
0xc9: {  	[spmem:s18@s28], [sflag:s3] =	dma.strided [hbm:s24@s28], $0x1C0, s26, $0x10   }
0xca: {  	s21 =	simm.s32 $0x0;
	s19 =	simm.s32 $0x10;
	s20 =	rddreg [dreg:$0x9]  }
.LBB2_6:
0xcb: {  	s2 =	simm.s32 $0x4  }
0xcc: {  	_ =	swait.ge [sflag:s2], $0x1C00  }
0xcd: {  	[sflag:s2] =	ssyncset.done $0x0  }
0xce: {  	[sflag:s2] =	ssyncadd.s32 $0xFFFFE400  }
.LBB2_7:
0xcf: {  	v0 =	vld [tilespmem:s19+$0x0];
	_ =	sdelay $0x4  }
0xd0: {  	(v2sf) =	vpush v0, $0x0;
	_ =	sdelay $0xe  }
0xd1: {  	s23 =	spop (v2sf)  }
0xd2: {  	s24 =	sshrl.u32 s23, $0x3  }
0xd3: {  	s23 =	sshll.u32 s23, $0x7;
	s24 =	smul.u32 $0x7000, s24  }
0xd4: {  	s23 =	sand.u32 $0x380, s23  }
0xd5: {  	s23 =	sor.u32 s23, s24  }
0xd6: {  	s2 =	sshrl.u32 s10, $0x3;
	s23 =	sshrl.u32 s23, $0x3  }
0xd7: {  	s24 =	sor.u32 $0x1C02, s0;
	s25 =	sadd.s32 s1, s23;
	s23 =	simm.s32 $0x1  }
0xd8: {  	[spmem:s2@s28], [sflag:s24] =	dma.strided [hbm:s25@s28], $0x1C0, s23, $0x10   }
0xd9: {  	(v2sf) =	vpush v0, $0x1;
	_ =	sdelay $0xe  }
0xda: {  	s2 =	spop (v2sf)  }
0xdb: {  	s25 =	sshrl.u32 s2, $0x3  }
0xdc: {  	s2 =	sshll.u32 s2, $0x7;
	s25 =	smul.u32 $0x7000, s25  }
0xdd: {  	s2 =	sand.u32 $0x380, s2  }
0xde: {  	s2 =	sor.u32 s2, s25  }
0xdf: {  	s2 =	sshrl.u32 s2, $0x3  }
0xe0: {  	s25 =	rddreg [dreg:$0xb];
	s2 =	sadd.s32 s1, s2  }
0xe1: {  	[spmem:s25@s28], [sflag:s24] =	dma.strided [hbm:s2@s28], $0x1C0, s23, $0x10   }
0xe2: {  	(v2sf) =	vpush v0, $0x2;
	_ =	sdelay $0xe  }
0xe3: {  	s2 =	spop (v2sf)  }
0xe4: {  	s25 =	sshrl.u32 s2, $0x3  }
0xe5: {  	s2 =	sshll.u32 s2, $0x7;
	s25 =	smul.u32 $0x7000, s25  }
0xe6: {  	s2 =	sand.u32 $0x380, s2  }
0xe7: {  	s2 =	sor.u32 s2, s25  }
0xe8: {  	s2 =	sshrl.u32 s2, $0x3  }
0xe9: {  	s25 =	rddreg [dreg:$0xc];
	s2 =	sadd.s32 s1, s2  }
0xea: {  	[spmem:s25@s28], [sflag:s24] =	dma.strided [hbm:s2@s28], $0x1C0, s23, $0x10   }
0xeb: {  	(v2sf) =	vpush v0, $0x3;
	_ =	sdelay $0xe  }
0xec: {  	s2 =	spop (v2sf)  }
0xed: {  	s25 =	sshrl.u32 s2, $0x3  }
0xee: {  	s2 =	sshll.u32 s2, $0x7;
	s25 =	smul.u32 $0x7000, s25  }
0xef: {  	s2 =	sand.u32 $0x380, s2  }
0xf0: {  	s2 =	sor.u32 s2, s25  }
0xf1: {  	s2 =	sshrl.u32 s2, $0x3  }
0xf2: {  	s25 =	rddreg [dreg:$0xd];
	s2 =	sadd.s32 s1, s2  }
0xf3: {  	[spmem:s25@s28], [sflag:s24] =	dma.strided [hbm:s2@s28], $0x1C0, s23, $0x10   }
0xf4: {  	(v2sf) =	vpush v0, $0x4;
	_ =	sdelay $0xe  }
0xf5: {  	s2 =	spop (v2sf)  }
0xf6: {  	s25 =	sshrl.u32 s2, $0x3  }
0xf7: {  	s2 =	sshll.u32 s2, $0x7;
	s25 =	smul.u32 $0x7000, s25  }
0xf8: {  	s2 =	sand.u32 $0x380, s2  }
0xf9: {  	s2 =	sor.u32 s2, s25  }
0xfa: {  	s2 =	sshrl.u32 s2, $0x3  }
0xfb: {  	s25 =	rddreg [dreg:$0xe];
	s2 =	sadd.s32 s1, s2  }
0xfc: {  	[spmem:s25@s28], [sflag:s24] =	dma.strided [hbm:s2@s28], $0x1C0, s23, $0x10   }
0xfd: {  	(v2sf) =	vpush v0, $0x5;
	_ =	sdelay $0xe  }
0xfe: {  	s2 =	spop (v2sf)  }
0xff: {  	s25 =	sshrl.u32 s2, $0x3  }
0x100: {  	s2 =	sshll.u32 s2, $0x7;
	s25 =	smul.u32 $0x7000, s25  }
0x101: {  	s2 =	sand.u32 $0x380, s2  }
0x102: {  	s2 =	sor.u32 s2, s25  }
0x103: {  	s2 =	sshrl.u32 s2, $0x3  }
0x104: {  	s25 =	rddreg [dreg:$0xf];
	s2 =	sadd.s32 s1, s2  }
0x105: {  	[spmem:s25@s28], [sflag:s24] =	dma.strided [hbm:s2@s28], $0x1C0, s23, $0x10   }
0x106: {  	(v2sf) =	vpush v0, $0x6;
	_ =	sdelay $0xe  }
0x107: {  	s2 =	spop (v2sf)  }
0x108: {  	s25 =	sshrl.u32 s2, $0x3  }
0x109: {  	s2 =	sshll.u32 s2, $0x7;
	s25 =	smul.u32 $0x7000, s25  }
0x10a: {  	s2 =	sand.u32 $0x380, s2  }
0x10b: {  	s2 =	sor.u32 s2, s25  }
0x10c: {  	s2 =	sshrl.u32 s2, $0x3  }
0x10d: {  	s25 =	rddreg [dreg:$0x10];
	s2 =	sadd.s32 s1, s2  }
0x10e: {  	[spmem:s25@s28], [sflag:s24] =	dma.strided [hbm:s2@s28], $0x1C0, s23, $0x10   }
0x10f: {  	(v2sf) =	vpush v0, $0x7;
	_ =	sdelay $0xe  }
0x110: {  	s2 =	spop (v2sf)  }
0x111: {  	s25 =	sshrl.u32 s2, $0x3  }
0x112: {  	s2 =	sshll.u32 s2, $0x7;
	s25 =	smul.u32 $0x7000, s25  }
0x113: {  	s2 =	sand.u32 $0x380, s2  }
0x114: {  	s2 =	sor.u32 s2, s25  }
0x115: {  	s2 =	sshrl.u32 s2, $0x3  }
0x116: {  	s25 =	rddreg [dreg:$0x11];
	s2 =	sadd.s32 s1, s2  }
0x117: {  	[spmem:s25@s28], [sflag:s24] =	dma.strided [hbm:s2@s28], $0x1C0, s23, $0x10   }
0x118: {  	(v2sf) =	vpush v0, $0x8;
	_ =	sdelay $0xe  }
0x119: {  	s2 =	spop (v2sf)  }
0x11a: {  	s25 =	sshrl.u32 s2, $0x3  }
0x11b: {  	s2 =	sshll.u32 s2, $0x7;
	s25 =	smul.u32 $0x7000, s25  }
0x11c: {  	s2 =	sand.u32 $0x380, s2  }
0x11d: {  	s2 =	sor.u32 s2, s25  }
0x11e: {  	s2 =	sshrl.u32 s2, $0x3  }
0x11f: {  	s25 =	rddreg [dreg:$0x12];
	s2 =	sadd.s32 s1, s2  }
0x120: {  	[spmem:s25@s28], [sflag:s24] =	dma.strided [hbm:s2@s28], $0x1C0, s23, $0x10   }
0x121: {  	(v2sf) =	vpush v0, $0x9;
	_ =	sdelay $0xe  }
0x122: {  	s2 =	spop (v2sf)  }
0x123: {  	s25 =	sshrl.u32 s2, $0x3  }
0x124: {  	s2 =	sshll.u32 s2, $0x7;
	s25 =	smul.u32 $0x7000, s25  }
0x125: {  	s2 =	sand.u32 $0x380, s2  }
0x126: {  	s2 =	sor.u32 s2, s25  }
0x127: {  	s2 =	sshrl.u32 s2, $0x3  }
0x128: {  	s25 =	rddreg [dreg:$0x13];
	s2 =	sadd.s32 s1, s2  }
0x129: {  	[spmem:s25@s28], [sflag:s24] =	dma.strided [hbm:s2@s28], $0x1C0, s23, $0x10   }
0x12a: {  	(v2sf) =	vpush v0, $0xA;
	_ =	sdelay $0xe  }
0x12b: {  	s2 =	spop (v2sf)  }
0x12c: {  	s25 =	sshrl.u32 s2, $0x3  }
0x12d: {  	s2 =	sshll.u32 s2, $0x7;
	s25 =	smul.u32 $0x7000, s25  }
0x12e: {  	s2 =	sand.u32 $0x380, s2  }
0x12f: {  	s2 =	sor.u32 s2, s25  }
0x130: {  	s2 =	sshrl.u32 s2, $0x3  }
0x131: {  	s25 =	rddreg [dreg:$0x14];
	s2 =	sadd.s32 s1, s2  }
0x132: {  	[spmem:s25@s28], [sflag:s24] =	dma.strided [hbm:s2@s28], $0x1C0, s23, $0x10   }
0x133: {  	(v2sf) =	vpush v0, $0xB;
	_ =	sdelay $0xe  }
0x134: {  	s2 =	spop (v2sf)  }
0x135: {  	s25 =	sshrl.u32 s2, $0x3  }
0x136: {  	s2 =	sshll.u32 s2, $0x7;
	s25 =	smul.u32 $0x7000, s25  }
0x137: {  	s2 =	sand.u32 $0x380, s2  }
0x138: {  	s2 =	sor.u32 s2, s25  }
0x139: {  	s2 =	sshrl.u32 s2, $0x3  }
0x13a: {  	s25 =	rddreg [dreg:$0x15];
	s2 =	sadd.s32 s1, s2  }
0x13b: {  	[spmem:s25@s28], [sflag:s24] =	dma.strided [hbm:s2@s28], $0x1C0, s23, $0x10   }
0x13c: {  	(v2sf) =	vpush v0, $0xC;
	_ =	sdelay $0xe  }
0x13d: {  	s2 =	spop (v2sf)  }
0x13e: {  	s25 =	sshrl.u32 s2, $0x3  }
0x13f: {  	s2 =	sshll.u32 s2, $0x7;
	s25 =	smul.u32 $0x7000, s25  }
0x140: {  	s2 =	sand.u32 $0x380, s2  }
0x141: {  	s2 =	sor.u32 s2, s25  }
0x142: {  	s2 =	sshrl.u32 s2, $0x3  }
0x143: {  	s25 =	rddreg [dreg:$0x16];
	s2 =	sadd.s32 s1, s2  }
0x144: {  	[spmem:s25@s28], [sflag:s24] =	dma.strided [hbm:s2@s28], $0x1C0, s23, $0x10   }
0x145: {  	(v2sf) =	vpush v0, $0xD;
	_ =	sdelay $0xe  }
0x146: {  	s2 =	spop (v2sf)  }
0x147: {  	s25 =	sshrl.u32 s2, $0x3  }
0x148: {  	s2 =	sshll.u32 s2, $0x7;
	s25 =	smul.u32 $0x7000, s25  }
0x149: {  	s2 =	sand.u32 $0x380, s2  }
0x14a: {  	s2 =	sor.u32 s2, s25  }
0x14b: {  	s2 =	sshrl.u32 s2, $0x3  }
0x14c: {  	s25 =	rddreg [dreg:$0x17];
	s2 =	sadd.s32 s1, s2  }
0x14d: {  	[spmem:s25@s28], [sflag:s24] =	dma.strided [hbm:s2@s28], $0x1C0, s23, $0x10   }
0x14e: {  	(v2sf) =	vpush v0, $0xE;
	_ =	sdelay $0xe  }
0x14f: {  	s2 =	spop (v2sf)  }
0x150: {  	s25 =	sshrl.u32 s2, $0x3  }
0x151: {  	s2 =	sshll.u32 s2, $0x7;
	s25 =	smul.u32 $0x7000, s25  }
0x152: {  	s2 =	sand.u32 $0x380, s2  }
0x153: {  	s2 =	sor.u32 s2, s25  }
0x154: {  	s2 =	sshrl.u32 s2, $0x3  }
0x155: {  	s25 =	rddreg [dreg:$0x18];
	s2 =	sadd.s32 s1, s2  }
0x156: {  	[spmem:s25@s28], [sflag:s24] =	dma.strided [hbm:s2@s28], $0x1C0, s23, $0x10   }
0x157: {  	(v2sf) =	vpush v0, $0xF;
	_ =	sdelay $0xe  }
0x158: {  	s2 =	spop (v2sf)  }
0x159: {  	s25 =	sshrl.u32 s2, $0x3  }
0x15a: {  	s2 =	sshll.u32 s2, $0x7;
	s25 =	smul.u32 $0x7000, s25  }
0x15b: {  	s2 =	sand.u32 $0x380, s2  }
0x15c: {  	s2 =	sor.u32 s2, s25  }
0x15d: {  	s2 =	sshrl.u32 s2, $0x3  }
0x15e: {  	s25 =	rddreg [dreg:$0x19];
	s2 =	sadd.s32 s1, s2  }
0x15f: {  	[spmem:s25@s28], [sflag:s24] =	dma.strided [hbm:s2@s28], $0x1C0, s23, $0x10   }
0x160: {  	s24 =	smov.u32 s4  }
.LBB2_11:
0x161: {  	s21 =	sadd.s32 $0x1, s21  }
0x162: {  	p0 =	sne.s32 s21, $0x40  }
.Ltmp3:
0x163: {  	_ =	swait.ge [sflag:s23], $0x1C00;
	(pc) =	sbr.rel @!p0 .LBB2_12-.Ltmp3, $4  }
0x164: {  	s2 =	sadd.s32 s22, s0;
	[sflag:s23] =	ssyncset.done $0x0  }
0x165: {  	s25 =	sshrl.u32 s24, $0x3;
	s2 =	sadd.s32 $0x1C00, s2;
	[sflag:s23] =	ssyncadd.s32 $0xFFFFE400  }
0x166: {  	[hbm:s20], [sflag:s2] =	dma.local [spmem:s25], $0x1C00  }
0x167: {  	s19 =	sadd.s32 $0x10, s19;
	s20 =	sadd.s32 $0x1C00, s20  }
.LBB2_2:
0x168: {  	s22 =	sand.u32 $0x1, s21  }
0x169: {  	p0 =	seq.s32 s22, $0x1  }
.Ltmp4:
0x16a: {  	_ = 	snop;
	(pc) =	sbr.rel @!p0 .LBB2_3-.Ltmp4, $1  }
0x16b: {  	_ =	sdelay $0x3  }
0x16c: {  	p0 =	seq.s32 s21, $0x3F  }
.Ltmp5:
0x16d: {  	_ = 	snop;
	(pc) =	sbr.rel @!p0 .LBB2_10-.Ltmp5, $2  }
0x16e: {  	_ =	sdelay $0x2  }
0x16f: {  	s22 =	simm.s32 $0x4;
	s23 =	simm.s32 $0x2  }
.Ltmp6:
0x170: {  	(pc) =	sbr.rel .LBB2_11-.Ltmp6, $2  }
0x171: {  	_ =	sdelay $0x2  }
0x172: {  	s24 =	smov.u32 s10  }
.LBB2_3:
0x173: {  	p0 =	seq.s32 s21, $0x0  }
.Ltmp7:
0x174: {  	_ = 	snop;
	(pc) =	sbr.rel @p0 .LBB2_7-.Ltmp7, $2  }
0x175: {  	_ =	sdelay $0x2  }
0x176: {  	s22 =	simm.s32 $0x3  }
0x177: {  	p0 =	seq.s32 s21, $0x3F  }
.Ltmp8:
0x178: {  	_ = 	snop;
	(pc) =	sbr.rel @!p0 .LBB2_6-.Ltmp8, $2  }
0x179: {  	_ =	sdelay $0x2  }
0x17a: {  	s23 =	simm.s32 $0x1  }
.Ltmp9:
0x17b: {  	(pc) =	sbr.rel .LBB2_11-.Ltmp9, $2  }
0x17c: {  	_ =	sdelay $0x2  }
0x17d: {  	s24 =	smov.u32 s4  }
.LBB2_10:
0x17e: {  	_ =	swait.ge [sflag:s29], $0x1C00  }
0x17f: {  	[sflag:s29] =	ssyncset.done $0x0  }
0x180: {  	[sflag:s29] =	ssyncadd.s32 $0xFFFFE400  }
0x181: {  	v0 =	vld [tilespmem:s19+$0x0];
	_ =	sdelay $0x4  }
0x182: {  	(v2sf) =	vpush v0, $0x0;
	_ =	sdelay $0xe  }
0x183: {  	s2 =	spop (v2sf)  }
0x184: {  	s24 =	sshrl.u32 s2, $0x3  }
0x185: {  	s2 =	sshll.u32 s2, $0x7;
	s24 =	smul.u32 $0x7000, s24  }
0x186: {  	s2 =	sand.u32 $0x380, s2  }
0x187: {  	s25 =	sld [smem:$0x7F7];
	s2 =	sor.u32 s2, s24  }
0x188: {  	s2 =	sshrl.u32 s2, $0x3  }
0x189: {  	s2 =	sadd.s32 s1, s2  }
0x18a: {  	[spmem:s25@s28], [sflag:s3] =	dma.strided [hbm:s2@s28], $0x1C0, s26, $0x10   }
0x18b: {  	(v2sf) =	vpush v0, $0x1;
	_ =	sdelay $0xe  }
0x18c: {  	s2 =	spop (v2sf)  }
0x18d: {  	s25 =	sshrl.u32 s2, $0x3  }
0x18e: {  	s2 =	sshll.u32 s2, $0x7;
	s24 =	smul.u32 $0x7000, s25  }
0x18f: {  	s2 =	sand.u32 $0x380, s2  }
0x190: {  	s2 =	sor.u32 s2, s24  }
0x191: {  	s2 =	sshrl.u32 s2, $0x3  }
0x192: {  	s2 =	sadd.s32 s1, s2  }
0x193: {  	[spmem:s5@s28], [sflag:s3] =	dma.strided [hbm:s2@s28], $0x1C0, s26, $0x10   }
0x194: {  	(v2sf) =	vpush v0, $0x2;
	_ =	sdelay $0xe  }
0x195: {  	s2 =	spop (v2sf)  }
0x196: {  	s25 =	sshrl.u32 s2, $0x3  }
0x197: {  	s2 =	sshll.u32 s2, $0x7;
	s24 =	smul.u32 $0x7000, s25  }
0x198: {  	s2 =	sand.u32 $0x380, s2  }
0x199: {  	s2 =	sor.u32 s2, s24  }
0x19a: {  	s2 =	sshrl.u32 s2, $0x3  }
0x19b: {  	s2 =	sadd.s32 s1, s2  }
0x19c: {  	[spmem:s6@s28], [sflag:s3] =	dma.strided [hbm:s2@s28], $0x1C0, s26, $0x10   }
0x19d: {  	(v2sf) =	vpush v0, $0x3;
	_ =	sdelay $0xe  }
0x19e: {  	s2 =	spop (v2sf)  }
0x19f: {  	s25 =	sshrl.u32 s2, $0x3  }
0x1a0: {  	s2 =	sshll.u32 s2, $0x7;
	s24 =	smul.u32 $0x7000, s25  }
0x1a1: {  	s2 =	sand.u32 $0x380, s2  }
0x1a2: {  	s2 =	sor.u32 s2, s24  }
0x1a3: {  	s2 =	sshrl.u32 s2, $0x3  }
0x1a4: {  	s2 =	sadd.s32 s1, s2  }
0x1a5: {  	[spmem:s7@s28], [sflag:s3] =	dma.strided [hbm:s2@s28], $0x1C0, s26, $0x10   }
0x1a6: {  	(v2sf) =	vpush v0, $0x4;
	_ =	sdelay $0xe  }
0x1a7: {  	s2 =	spop (v2sf)  }
0x1a8: {  	s25 =	sshrl.u32 s2, $0x3  }
0x1a9: {  	s2 =	sshll.u32 s2, $0x7;
	s24 =	smul.u32 $0x7000, s25  }
0x1aa: {  	s2 =	sand.u32 $0x380, s2  }
0x1ab: {  	s2 =	sor.u32 s2, s24  }
0x1ac: {  	s2 =	sshrl.u32 s2, $0x3  }
0x1ad: {  	s2 =	sadd.s32 s1, s2  }
0x1ae: {  	[spmem:s8@s28], [sflag:s3] =	dma.strided [hbm:s2@s28], $0x1C0, s26, $0x10   }
0x1af: {  	(v2sf) =	vpush v0, $0x5;
	_ =	sdelay $0xe  }
0x1b0: {  	s2 =	spop (v2sf)  }
0x1b1: {  	s25 =	sshrl.u32 s2, $0x3  }
0x1b2: {  	s2 =	sshll.u32 s2, $0x7;
	s24 =	smul.u32 $0x7000, s25  }
0x1b3: {  	s2 =	sand.u32 $0x380, s2  }
0x1b4: {  	s2 =	sor.u32 s2, s24  }
0x1b5: {  	s2 =	sshrl.u32 s2, $0x3  }
0x1b6: {  	s2 =	sadd.s32 s1, s2  }
0x1b7: {  	[spmem:s9@s28], [sflag:s3] =	dma.strided [hbm:s2@s28], $0x1C0, s26, $0x10   }
0x1b8: {  	(v2sf) =	vpush v0, $0x6;
	_ =	sdelay $0xe  }
0x1b9: {  	s2 =	spop (v2sf)  }
0x1ba: {  	s25 =	sshrl.u32 s2, $0x3  }
0x1bb: {  	s2 =	sshll.u32 s2, $0x7;
	s24 =	smul.u32 $0x7000, s25  }
0x1bc: {  	s2 =	sand.u32 $0x380, s2  }
0x1bd: {  	s2 =	sor.u32 s2, s24  }
0x1be: {  	s2 =	sshrl.u32 s2, $0x3  }
0x1bf: {  	s2 =	sadd.s32 s1, s2  }
0x1c0: {  	[spmem:s31@s28], [sflag:s3] =	dma.strided [hbm:s2@s28], $0x1C0, s26, $0x10   }
0x1c1: {  	(v2sf) =	vpush v0, $0x7;
	_ =	sdelay $0xe  }
0x1c2: {  	s2 =	spop (v2sf)  }
0x1c3: {  	s25 =	sshrl.u32 s2, $0x3  }
0x1c4: {  	s2 =	sshll.u32 s2, $0x7;
	s24 =	smul.u32 $0x7000, s25  }
0x1c5: {  	s2 =	sand.u32 $0x380, s2  }
0x1c6: {  	s2 =	sor.u32 s2, s24  }
0x1c7: {  	s2 =	sshrl.u32 s2, $0x3  }
0x1c8: {  	s2 =	sadd.s32 s1, s2  }
0x1c9: {  	[spmem:s30@s28], [sflag:s3] =	dma.strided [hbm:s2@s28], $0x1C0, s26, $0x10   }
0x1ca: {  	(v2sf) =	vpush v0, $0x8;
	_ =	sdelay $0xe  }
0x1cb: {  	s2 =	spop (v2sf)  }
0x1cc: {  	s25 =	sshrl.u32 s2, $0x3  }
0x1cd: {  	s2 =	sshll.u32 s2, $0x7;
	s24 =	smul.u32 $0x7000, s25  }
0x1ce: {  	s2 =	sand.u32 $0x380, s2  }
0x1cf: {  	s2 =	sor.u32 s2, s24  }
0x1d0: {  	s2 =	sshrl.u32 s2, $0x3  }
0x1d1: {  	s2 =	sadd.s32 s1, s2  }
0x1d2: {  	[spmem:s11@s28], [sflag:s3] =	dma.strided [hbm:s2@s28], $0x1C0, s26, $0x10   }
0x1d3: {  	(v2sf) =	vpush v0, $0x9;
	_ =	sdelay $0xe  }
0x1d4: {  	s2 =	spop (v2sf)  }
0x1d5: {  	s25 =	sshrl.u32 s2, $0x3  }
0x1d6: {  	s2 =	sshll.u32 s2, $0x7;
	s24 =	smul.u32 $0x7000, s25  }
0x1d7: {  	s2 =	sand.u32 $0x380, s2  }
0x1d8: {  	s2 =	sor.u32 s2, s24  }
0x1d9: {  	s2 =	sshrl.u32 s2, $0x3  }
0x1da: {  	s2 =	sadd.s32 s1, s2  }
0x1db: {  	[spmem:s12@s28], [sflag:s3] =	dma.strided [hbm:s2@s28], $0x1C0, s26, $0x10   }
0x1dc: {  	(v2sf) =	vpush v0, $0xA;
	_ =	sdelay $0xe  }
0x1dd: {  	s2 =	spop (v2sf)  }
0x1de: {  	s25 =	sshrl.u32 s2, $0x3  }
0x1df: {  	s2 =	sshll.u32 s2, $0x7;
	s24 =	smul.u32 $0x7000, s25  }
0x1e0: {  	s2 =	sand.u32 $0x380, s2  }
0x1e1: {  	s2 =	sor.u32 s2, s24  }
0x1e2: {  	s2 =	sshrl.u32 s2, $0x3  }
0x1e3: {  	s2 =	sadd.s32 s1, s2  }
0x1e4: {  	[spmem:s13@s28], [sflag:s3] =	dma.strided [hbm:s2@s28], $0x1C0, s26, $0x10   }
0x1e5: {  	(v2sf) =	vpush v0, $0xB;
	_ =	sdelay $0xe  }
0x1e6: {  	s2 =	spop (v2sf)  }
0x1e7: {  	s25 =	sshrl.u32 s2, $0x3  }
0x1e8: {  	s2 =	sshll.u32 s2, $0x7;
	s24 =	smul.u32 $0x7000, s25  }
0x1e9: {  	s2 =	sand.u32 $0x380, s2  }
0x1ea: {  	s2 =	sor.u32 s2, s24  }
0x1eb: {  	s2 =	sshrl.u32 s2, $0x3  }
0x1ec: {  	s2 =	sadd.s32 s1, s2  }
0x1ed: {  	[spmem:s14@s28], [sflag:s3] =	dma.strided [hbm:s2@s28], $0x1C0, s26, $0x10   }
0x1ee: {  	(v2sf) =	vpush v0, $0xC;
	_ =	sdelay $0xe  }
0x1ef: {  	s2 =	spop (v2sf)  }
0x1f0: {  	s25 =	sshrl.u32 s2, $0x3  }
0x1f1: {  	s2 =	sshll.u32 s2, $0x7;
	s24 =	smul.u32 $0x7000, s25  }
0x1f2: {  	s2 =	sand.u32 $0x380, s2  }
0x1f3: {  	s2 =	sor.u32 s2, s24  }
0x1f4: {  	s2 =	sshrl.u32 s2, $0x3  }
0x1f5: {  	s2 =	sadd.s32 s1, s2  }
0x1f6: {  	[spmem:s15@s28], [sflag:s3] =	dma.strided [hbm:s2@s28], $0x1C0, s26, $0x10   }
0x1f7: {  	(v2sf) =	vpush v0, $0xD;
	_ =	sdelay $0xe  }
0x1f8: {  	s2 =	spop (v2sf)  }
0x1f9: {  	s25 =	sshrl.u32 s2, $0x3  }
0x1fa: {  	s2 =	sshll.u32 s2, $0x7;
	s24 =	smul.u32 $0x7000, s25  }
0x1fb: {  	s2 =	sand.u32 $0x380, s2  }
0x1fc: {  	s2 =	sor.u32 s2, s24  }
0x1fd: {  	s2 =	sshrl.u32 s2, $0x3  }
0x1fe: {  	s2 =	sadd.s32 s1, s2  }
0x1ff: {  	[spmem:s16@s28], [sflag:s3] =	dma.strided [hbm:s2@s28], $0x1C0, s26, $0x10   }
0x200: {  	(v2sf) =	vpush v0, $0xE;
	_ =	sdelay $0xe  }
0x201: {  	s2 =	spop (v2sf)  }
0x202: {  	s25 =	sshrl.u32 s2, $0x3  }
0x203: {  	s2 =	sshll.u32 s2, $0x7;
	s24 =	smul.u32 $0x7000, s25  }
0x204: {  	s2 =	sand.u32 $0x380, s2  }
0x205: {  	s2 =	sor.u32 s2, s24  }
0x206: {  	s2 =	sshrl.u32 s2, $0x3  }
0x207: {  	s2 =	sadd.s32 s1, s2  }
0x208: {  	[spmem:s17@s28], [sflag:s3] =	dma.strided [hbm:s2@s28], $0x1C0, s26, $0x10   }
0x209: {  	(v2sf) =	vpush v0, $0xF;
	_ =	sdelay $0xe  }
0x20a: {  	s2 =	spop (v2sf)  }
0x20b: {  	s25 =	sshrl.u32 s2, $0x3  }
0x20c: {  	s2 =	sshll.u32 s2, $0x7;
	s24 =	smul.u32 $0x7000, s25  }
.Ltmp10:
0x20d: {  	s2 =	sand.u32 $0x380, s2;
	(pc) =	sbr.rel .LBB2_11-.Ltmp10, $4  }
0x20e: {  	s2 =	sor.u32 s2, s24  }
0x20f: {  	s2 =	sshrl.u32 s2, $0x3  }
0x210: {  	s24 =	smov.u32 s10;
	s2 =	sadd.s32 s1, s2  }
0x211: {  	[spmem:s18@s28], [sflag:s3] =	dma.strided [hbm:s2@s28], $0x1C0, s26, $0x10   }
.LBB2_13:
0x212: {  	_ =	sfence.sel $0x180000  }
0x213: {  	[bflag:$0x0] =	sbarrier.arrive $0xFFFF  }
0x214: {  	_ =	strace $0x90000047  }
0x215: {  	s0 =	stileid.u32;
	[bflag:$0x2] =	sbarrier.arrive $0xFFFF  }
0x216: {  	p0 =	sne.s32 s0, $0x0;
	s0 =	rddreg [dreg:$0x4]  }
0x217: {  	s0 =	sadd.s32 @!p0 $0x100000, s0  }
0x218: {  	[sflag:s0] =	ssyncadd.tile.s32 @!p0 $0x1;
	_ =	shalt  }
.Lfunc_end2:
_tile_overlayer_lowered:
.L_overlay_start_2:
0x219: {  	(tag) =	ssettag $0x2  }
0x21a: {  	s0 =	rddreg [dreg:$0x0];
	s2 =	stileid.u32  }
0x21b: {  	s1 =	rddreg [dreg:$0x1];
	p0 =	sne.s32 s2, $0x0  }
0x21c: {  	s3 =	rddreg [dreg:$0x2];
	[bflag:$0x3] =	sbarrier.arrive $0xFFFF;
	s2 =	simm.s32 @!p0 $0x1C05  }
0x21d: {  	[timem:s3], [sflag:s2] =	dma.local @!p0 [hbm:s0], s1  }
0x21e: {  	s0 =	simm.s32 @!p0 $0x5  }
0x21f: {  	_ =	swait.ge @!p0 [sflag:s0], s1  }
0x220: {  	s1 =	ssub.s32 @!p0 $0x0, s1;
	[sflag:s0] =	ssyncset.done @!p0 $0x0  }
0x221: {  	[sflag:s0] =	ssyncadd.s32 @!p0 s1  }
0x222: {  	[bflag:$0x3] =	sbarrier.arrive $0xFFFF  }
0x223: {  	_ =	shalt  }

</sc_bundles>
